<compile_context>
chip_gen: v7x
topology: tpu7x:2x2x1
jax: 0.10.2.dev20260603
libtpu: 0.0.44.dev20260713+nightly
codegen_flags: <defaults>
</compile_context>

<pallas_src>
import functools

import jax
import jax.numpy as jnp
from jax import lax
from jax.experimental import pallas as pl
from jax.experimental.pallas import tpu as pltpu
from jax.experimental.pallas import tpu_sc as plsc

K = 16
BN = 512
BN3 = 512
_F32_MIN = -3.0e38


def _knn_body(feats_ref, idx_ref, ft_ref):
    b = pl.program_id(0)
    i = pl.program_id(1)
    f = feats_ref[0]
    C, N = f.shape
    start = pl.multiple_of(i * BN, BN)
    fb = feats_ref[0, :, pl.ds(start, BN)]

    fh = f.astype(jnp.bfloat16)
    fbh = fb.astype(jnp.bfloat16)
    M1 = lax.dot_general(fbh, fh, (((0,), (0,)), ((), ())),
                         preferred_element_type=jnp.float32)
    inner = -2.0 * M1
    xx = jnp.sum(f * f, axis=0, keepdims=True)
    T = (-xx) - inner

    iota_j = lax.broadcasted_iota(jnp.int32, (BN, N), 1).astype(jnp.float32)
    j0 = (lax.broadcasted_iota(jnp.int32, (BN, 1), 0) + start).astype(jnp.float32)
    idx_parts = [j0]
    vals = jnp.where(iota_j == j0, _F32_MIN, T)
    jt = None
    for _ in range(K - 1):
        if jt is not None:
            vals = jnp.where(iota_j == jt, _F32_MIN, vals)
        m = jnp.max(vals, axis=1, keepdims=True)
        cand = jnp.where(vals == m, iota_j, float(N))
        jt = jnp.min(cand, axis=1, keepdims=True)
        idx_parts.append(jt)
    idx_blk = jnp.concatenate(idx_parts, axis=1)
    idx_ref[0] = idx_blk.astype(jnp.int32) + b * N
    ft_ref[0] = fb.T


def _knn(feats):
    B, C, N = feats.shape
    return pl.pallas_call(
        _knn_body,
        grid=(B, N // BN),
        in_specs=[pl.BlockSpec((1, C, N), lambda b, i: (b, 0, 0))],
        out_specs=[
            pl.BlockSpec((1, BN, K), lambda b, i: (b, i, 0)),
            pl.BlockSpec((1, BN, C), lambda b, i: (b, i, 0)),
        ],
        out_shape=[
            jax.ShapeDtypeStruct((B, N, K), jnp.int32),
            jax.ShapeDtypeStruct((B, N, C), jnp.float32),
        ],
    )(feats)


def _sc_gather(table, idx_flat):
    info = plsc.get_sparse_core_info()
    NW = info.num_cores * info.num_subcores
    idx3 = idx_flat.reshape(NW, idx_flat.shape[0] // (NW * 128), 128)
    NCH = idx3.shape[1]
    D = table.shape[1]
    per_w = NCH * 128
    M = NW * per_w
    GRP = 8
    mesh = plsc.VectorSubcoreMesh(core_axis_name="c", subcore_axis_name="s")

    @functools.partial(
        pl.kernel,
        mesh=mesh,
        compiler_params=pltpu.CompilerParams(use_tc_tiling_on_sc=False),
        out_type=jax.ShapeDtypeStruct((M, D), jnp.float32),
        scratch_types=[
            pltpu.VMEM((NCH, 128), jnp.int32),
            pltpu.VMEM((GRP * 128, D), jnp.float32),
            pltpu.SemaphoreType.DMA,
        ],
    )
    def k(table_hbm, idx_hbm, out_hbm, idx_v, rows_v, sem):
        wid = lax.axis_index("s") * info.num_cores + lax.axis_index("c")
        base = wid * per_w
        pltpu.sync_copy(idx_hbm.at[wid], idx_v)

        def outer(g, carry):
            copies = []
            for j in range(GRP):
                cp = pltpu.async_copy(
                    table_hbm.at[idx_v.at[g * GRP + j]],
                    rows_v.at[pl.ds(j * 128, 128)],
                    sem,
                )
                copies.append(cp)
            for cp in copies:
                cp.wait()
            pltpu.sync_copy(rows_v,
                            out_hbm.at[pl.ds(base + g * (GRP * 128), GRP * 128)])
            return carry

        lax.fori_loop(0, NCH // GRP, outer, 0, unroll=False)

    return k(table, idx3)


def _mlp_body(g_ref, rep_ref, w1_ref, b1_ref, w2_ref, b2_ref, out_ref):
    g = g_ref[0]
    rep = rep_ref[0]
    C = rep.shape[-1]
    rep_b = jnp.broadcast_to(rep[:, None, :], g.shape)
    graph = jnp.concatenate([g - rep_b, rep_b], axis=-1)
    gb = graph.reshape(BN3 * K, 2 * C).astype(jnp.bfloat16)
    w1b = w1_ref[...].astype(jnp.bfloat16)
    h = lax.dot_general(gb, w1b, (((1,), (1,)), ((), ())),
                        preferred_element_type=jnp.float32) + b1_ref[...]
    h = jnp.maximum(h, 0.0)
    hb = h.astype(jnp.bfloat16)
    w2b = w2_ref[...].astype(jnp.bfloat16)
    o = lax.dot_general(hb, w2b, (((1,), (1,)), ((), ())),
                        preferred_element_type=jnp.float32) + b2_ref[...]
    o = o.reshape(BN3, K, -1)
    out_ref[0] = jnp.max(o, axis=1).T


def _mlp(G4, fT, W1, b1_row, W2, b2_row):
    B, N, _, C = G4.shape
    H = W1.shape[0]
    O = W2.shape[0]
    return pl.pallas_call(
        _mlp_body,
        grid=(B, N // BN3),
        in_specs=[
            pl.BlockSpec((1, BN3, K, C), lambda b, i: (b, i, 0, 0)),
            pl.BlockSpec((1, BN3, C), lambda b, i: (b, i, 0)),
            pl.BlockSpec((H, 2 * C), lambda b, i: (0, 0)),
            pl.BlockSpec((1, H), lambda b, i: (0, 0)),
            pl.BlockSpec((O, H), lambda b, i: (0, 0)),
            pl.BlockSpec((1, O), lambda b, i: (0, 0)),
        ],
        out_specs=pl.BlockSpec((1, O, BN3), lambda b, i: (b, 0, i)),
        out_shape=jax.ShapeDtypeStruct((B, O, N), jnp.float32),
    )(G4, fT, W1, b1_row, W2, b2_row)


def kernel(feats, W1, b1, W2, b2):
    B, C, N = feats.shape
    idx_g, fT = _knn(feats)
    G = _sc_gather(fT.reshape(B * N, C), idx_g.reshape(-1))
    return _mlp(G.reshape(B, N, K, C), fT, W1, b1.reshape(1, -1),
                W2, b2.reshape(1, -1))

# --- scband reference (transcript-rebuilt; emitter-appended) ---
"""Pipeline reference for scband-edge-conv-19430432047361 (READ-ONLY COPY).

The authoritative reference and input builder live on the scoring server;
editing this copy changes nothing except your own understanding.
"""

import jax, jax.numpy as jnp
import numpy as np

K = 16


def setup_inputs(seed: int = 0) -> dict:
    key = jax.random.key(seed)
    k1, k2, k3 = jax.random.split(key, 3)
    B, C, N = 4, 64, 4096
    hidden, out_f = 64, 64
    feats = jax.random.normal(k1, (B, C, N), dtype=jnp.float32)
    W1 = jax.random.normal(k2, (hidden, 2 * C), dtype=jnp.float32) * (1.0 / np.sqrt(2 * C))
    b1 = jnp.zeros((hidden,), dtype=jnp.float32)
    W2 = jax.random.normal(k3, (out_f, hidden), dtype=jnp.float32) * (1.0 / np.sqrt(hidden))
    b2 = jnp.zeros((out_f,), dtype=jnp.float32)
    return {"feats": feats, "W1": W1, "b1": b1, "W2": W2, "b2": b2}


def reference(feats, W1, b1, W2, b2):
    # knn: pairwise negative squared distances, top-k neighbor indices
    inner = -2.0 * jnp.matmul(jnp.transpose(feats, (0, 2, 1)), feats)  # [B,N,N]
    xx = jnp.sum(feats ** 2, axis=1, keepdims=True)                    # [B,1,N]
    pairwise = -xx - inner - jnp.transpose(xx, (0, 2, 1))              # [B,N,N]
    _, knn_idx = jax.lax.top_k(pairwise, K)                            # [B,N,K]
    # gather neighbor features: knn_feats[b,c,n,k] = feats[b,c,knn_idx[b,n,k]]
    knn_feats = jax.vmap(lambda f, idx: f[:, idx])(feats, knn_idx)     # [B,C,N,K]
    rep = jnp.broadcast_to(feats[:, :, :, None], knn_feats.shape)      # [B,C,N,K]
    graph_feats = jnp.concatenate([knn_feats - rep, rep], axis=1)      # [B,2C,N,K]
    # 1x1 Conv2d -> ReLU -> 1x1 Conv2d
    h = jnp.einsum('oc,bcnk->bonk', W1, graph_feats) + b1[None, :, None, None]
    h = jax.nn.relu(h)
    out = jnp.einsum('oc,bcnk->bonk', W2, h) + b2[None, :, None, None]
    # max over neighbor dimension
    return jnp.max(out, axis=-1)                                       # [B,out_f,N]

if __name__ == "__main__":
    import jax
    _d = setup_inputs()
    print(jax.jit(kernel)(*tuple(_d.values())))

</pallas_src>

<mosaic_0001>
#map = affine_map<(d0, d1) -> (0, 0)>
#map1 = affine_map<(d0, d1) -> (0, 0, 0)>
module attributes {stable_mosaic.version = 14 : i64} {
  func.func @k(%arg0: i32, %arg1: i32, %arg2: memref<16384x64xf32, #tpu.memory_space<hbm>>, %arg3: memref<32x64x128xi32, #tpu.memory_space<hbm>>, %arg4: memref<262144x64xf32, #tpu.memory_space<hbm>>, %arg5: memref<64x128xi32, #tpu.memory_space<vmem>>, %arg6: memref<1024x64xf32, #tpu.memory_space<vmem>>, %arg7: memref<!tpu.dma_semaphore, #tpu.memory_space<semaphore_mem>>) attributes {dimension_semantics = [#tpu.dimension_semantics<core_parallel>, #tpu.dimension_semantics<subcore_parallel>], iteration_bounds = array<i64: 2, 16>, scalar_prefetch = 0 : i64, scratch_operands = 3 : i64, tpu.core_type = #tpu.core_type<sc_vector_subcore>, window_params = [{transform_indices = #map}, {transform_indices = #map1}, {transform_indices = #map}]} {
    %mul3A = arith.constant 2 : i32
    %mul3A_0 = arith.muli %arg1, %mul3A : i32
    %add3A = arith.addi %mul3A_0, %arg0 : i32
    %mul3A_1 = arith.constant 8192 : i32
    %mul3A_2 = arith.muli %add3A, %mul3A_1 : i32
    "tpu.region"() ({
      %run_scoped3A = tpu.sem_alloc : memref<!tpu.dma_semaphore, #tpu.memory_space<semaphore_mem>>
      %dma_start3A = arith.constant 0 : i32
      %dma_start3A_8 = arith.constant 0 : i32
      %dma_start3A_9 = tpu.memref_slice %arg3[%add3A, %dma_start3A, %dma_start3A_8] : memref<32x64x128xi32, #tpu.memory_space<hbm>> -> memref<1x64x128xi32, #tpu.memory_space<hbm>>
      %dma_start3A_10 = tpu.memref_squeeze %dma_start3A_9 : memref<1x64x128xi32, #tpu.memory_space<hbm>> -> memref<64x128xi32, #tpu.memory_space<hbm>>
      %dma_start3A_11 = arith.constant 0 : i32
      %dma_start3A_12 = arith.constant 0 : i32
      %dma_start3A_13 = tpu.memref_slice %arg3[%add3A, %dma_start3A_11, %dma_start3A_12] : memref<32x64x128xi32, #tpu.memory_space<hbm>> -> memref<1x64x128xi32, #tpu.memory_space<hbm>>
      %dma_start3A_14 = tpu.memref_squeeze %dma_start3A_13 : memref<1x64x128xi32, #tpu.memory_space<hbm>> -> memref<64x128xi32, #tpu.memory_space<hbm>>
      tpu.enqueue_dma source(%dma_start3A_14 : memref<64x128xi32, #tpu.memory_space<hbm>>) target(%arg5 : memref<64x128xi32, #tpu.memory_space<vmem>>) target_semaphore(%run_scoped3A : memref<!tpu.dma_semaphore, #tpu.memory_space<semaphore_mem>>)
      %dma_wait3A = arith.constant 0 : i32
      %dma_wait3A_15 = arith.constant 0 : i32
      %dma_wait3A_16 = tpu.memref_slice %arg3[%add3A, %dma_wait3A, %dma_wait3A_15] : memref<32x64x128xi32, #tpu.memory_space<hbm>> -> memref<1x64x128xi32, #tpu.memory_space<hbm>>
      %dma_wait3A_17 = tpu.memref_squeeze %dma_wait3A_16 : memref<1x64x128xi32, #tpu.memory_space<hbm>> -> memref<64x128xi32, #tpu.memory_space<hbm>>
      %dma_wait3A_18 = arith.constant 0 : i32
      %dma_wait3A_19 = arith.constant 0 : i32
      %dma_wait3A_20 = tpu.memref_slice %arg3[%add3A, %dma_wait3A_18, %dma_wait3A_19] : memref<32x64x128xi32, #tpu.memory_space<hbm>> -> memref<1x64x128xi32, #tpu.memory_space<hbm>>
      %dma_wait3A_21 = tpu.memref_squeeze %dma_wait3A_20 : memref<1x64x128xi32, #tpu.memory_space<hbm>> -> memref<64x128xi32, #tpu.memory_space<hbm>>
      tpu.wait_dma2 semaphore(%run_scoped3A : memref<!tpu.dma_semaphore, #tpu.memory_space<semaphore_mem>>) src(%dma_wait3A_21 : memref<64x128xi32, #tpu.memory_space<hbm>>) dst(%arg5 : memref<64x128xi32, #tpu.memory_space<vmem>>)
      tpu.yield
    }) : () -> ()
    %scan3A = arith.constant 0 : i32
    %scan3A_3 = arith.constant 0 : i32
    %scan3A_4 = arith.constant 8 : i32
    %scan3A_5 = arith.addi %scan3A_3, %scan3A_4 : i32
    %scan3A_6 = arith.constant 1 : i32
    scf.for %scan3A_8 = %scan3A_3 to %scan3A_5 step %scan3A_6  : i32 {
      %mul3A_9 = arith.constant 8 : i32
      %mul3A_10 = arith.muli %scan3A_8, %mul3A_9 : i32
      %add3A_11 = arith.constant 0 : i32
      %add3A_12 = arith.addi %mul3A_10, %add3A_11 : i32
      %dma_start3A = arith.constant 0 : i32
      %dma_start3A_13 = arith.constant 0 : i32
      %dma_start3A_14 = tpu.memref_slice %arg6[%dma_start3A, %dma_start3A_13] : memref<1024x64xf32, #tpu.memory_space<vmem>> -> memref<128x64xf32, #tpu.memory_space<vmem>>
      %dma_start3A_15 = arith.constant 0 : i32
      %dma_start3A_16 = tpu.memref_slice %arg5[%add3A_12, %dma_start3A_15] : memref<64x128xi32, #tpu.memory_space<vmem>> -> memref<1x128xi32, #tpu.memory_space<vmem>>
      %dma_start3A_17 = tpu.memref_squeeze %dma_start3A_16 : memref<1x128xi32, #tpu.memory_space<vmem>> -> memref<128xi32, #tpu.memory_space<vmem>>
      %dma_start3A_18 = arith.constant 0 : i32
      %dma_start3A_19 = arith.constant 0 : i32
      %dma_start3A_20 = tpu.memref_slice %arg2[%dma_start3A_18, %dma_start3A_19] : memref<16384x64xf32, #tpu.memory_space<hbm>> -> memref<16384x64xf32, #tpu.memory_space<hbm>>
      tpu.enqueue_indirect_dma source(%dma_start3A_20 : memref<16384x64xf32, #tpu.memory_space<hbm>>) target(%dma_start3A_14 : memref<128x64xf32, #tpu.memory_space<vmem>>) offsets(%dma_start3A_17 : memref<128xi32, #tpu.memory_space<vmem>>) semaphore(%arg7 : memref<!tpu.dma_semaphore, #tpu.memory_space<semaphore_mem>>)
      %mul3A_21 = arith.constant 8 : i32
      %mul3A_22 = arith.muli %scan3A_8, %mul3A_21 : i32
      %add3A_23 = arith.constant 1 : i32
      %add3A_24 = arith.addi %mul3A_22, %add3A_23 : i32
      %dma_start3A_25 = arith.constant 128 : i32
      %dma_start3A_26 = arith.constant 0 : i32
      %dma_start3A_27 = tpu.memref_slice %arg6[%dma_start3A_25, %dma_start3A_26] : memref<1024x64xf32, #tpu.memory_space<vmem>> -> memref<128x64xf32, #tpu.memory_space<vmem>>
      %dma_start3A_28 = arith.constant 0 : i32
      %dma_start3A_29 = tpu.memref_slice %arg5[%add3A_24, %dma_start3A_28] : memref<64x128xi32, #tpu.memory_space<vmem>> -> memref<1x128xi32, #tpu.memory_space<vmem>>
      %dma_start3A_30 = tpu.memref_squeeze %dma_start3A_29 : memref<1x128xi32, #tpu.memory_space<vmem>> -> memref<128xi32, #tpu.memory_space<vmem>>
      %dma_start3A_31 = arith.constant 0 : i32
      %dma_start3A_32 = arith.constant 0 : i32
      %dma_start3A_33 = tpu.memref_slice %arg2[%dma_start3A_31, %dma_start3A_32] : memref<16384x64xf32, #tpu.memory_space<hbm>> -> memref<16384x64xf32, #tpu.memory_space<hbm>>
      tpu.enqueue_indirect_dma source(%dma_start3A_33 : memref<16384x64xf32, #tpu.memory_space<hbm>>) target(%dma_start3A_27 : memref<128x64xf32, #tpu.memory_space<vmem>>) offsets(%dma_start3A_30 : memref<128xi32, #tpu.memory_space<vmem>>) semaphore(%arg7 : memref<!tpu.dma_semaphore, #tpu.memory_space<semaphore_mem>>)
      %mul3A_34 = arith.constant 8 : i32
      %mul3A_35 = arith.muli %scan3A_8, %mul3A_34 : i32
      %add3A_36 = arith.constant 2 : i32
      %add3A_37 = arith.addi %mul3A_35, %add3A_36 : i32
      %dma_start3A_38 = arith.constant 256 : i32
      %dma_start3A_39 = arith.constant 0 : i32
      %dma_start3A_40 = tpu.memref_slice %arg6[%dma_start3A_38, %dma_start3A_39] : memref<1024x64xf32, #tpu.memory_space<vmem>> -> memref<128x64xf32, #tpu.memory_space<vmem>>
      %dma_start3A_41 = arith.constant 0 : i32
      %dma_start3A_42 = tpu.memref_slice %arg5[%add3A_37, %dma_start3A_41] : memref<64x128xi32, #tpu.memory_space<vmem>> -> memref<1x128xi32, #tpu.memory_space<vmem>>
      %dma_start3A_43 = tpu.memref_squeeze %dma_start3A_42 : memref<1x128xi32, #tpu.memory_space<vmem>> -> memref<128xi32, #tpu.memory_space<vmem>>
      %dma_start3A_44 = arith.constant 0 : i32
      %dma_start3A_45 = arith.constant 0 : i32
      %dma_start3A_46 = tpu.memref_slice %arg2[%dma_start3A_44, %dma_start3A_45] : memref<16384x64xf32, #tpu.memory_space<hbm>> -> memref<16384x64xf32, #tpu.memory_space<hbm>>
      tpu.enqueue_indirect_dma source(%dma_start3A_46 : memref<16384x64xf32, #tpu.memory_space<hbm>>) target(%dma_start3A_40 : memref<128x64xf32, #tpu.memory_space<vmem>>) offsets(%dma_start3A_43 : memref<128xi32, #tpu.memory_space<vmem>>) semaphore(%arg7 : memref<!tpu.dma_semaphore, #tpu.memory_space<semaphore_mem>>)
      %mul3A_47 = arith.constant 8 : i32
      %mul3A_48 = arith.muli %scan3A_8, %mul3A_47 : i32
      %add3A_49 = arith.constant 3 : i32
      %add3A_50 = arith.addi %mul3A_48, %add3A_49 : i32
      %dma_start3A_51 = arith.constant 384 : i32
      %dma_start3A_52 = arith.constant 0 : i32
      %dma_start3A_53 = tpu.memref_slice %arg6[%dma_start3A_51, %dma_start3A_52] : memref<1024x64xf32, #tpu.memory_space<vmem>> -> memref<128x64xf32, #tpu.memory_space<vmem>>
      %dma_start3A_54 = arith.constant 0 : i32
      %dma_start3A_55 = tpu.memref_slice %arg5[%add3A_50, %dma_start3A_54] : memref<64x128xi32, #tpu.memory_space<vmem>> -> memref<1x128xi32, #tpu.memory_space<vmem>>
      %dma_start3A_56 = tpu.memref_squeeze %dma_start3A_55 : memref<1x128xi32, #tpu.memory_space<vmem>> -> memref<128xi32, #tpu.memory_space<vmem>>
      %dma_start3A_57 = arith.constant 0 : i32
      %dma_start3A_58 = arith.constant 0 : i32
      %dma_start3A_59 = tpu.memref_slice %arg2[%dma_start3A_57, %dma_start3A_58] : memref<16384x64xf32, #tpu.memory_space<hbm>> -> memref<16384x64xf32, #tpu.memory_space<hbm>>
      tpu.enqueue_indirect_dma source(%dma_start3A_59 : memref<16384x64xf32, #tpu.memory_space<hbm>>) target(%dma_start3A_53 : memref<128x64xf32, #tpu.memory_space<vmem>>) offsets(%dma_start3A_56 : memref<128xi32, #tpu.memory_space<vmem>>) semaphore(%arg7 : memref<!tpu.dma_semaphore, #tpu.memory_space<semaphore_mem>>)
      %mul3A_60 = arith.constant 8 : i32
      %mul3A_61 = arith.muli %scan3A_8, %mul3A_60 : i32
      %add3A_62 = arith.constant 4 : i32
      %add3A_63 = arith.addi %mul3A_61, %add3A_62 : i32
      %dma_start3A_64 = arith.constant 512 : i32
      %dma_start3A_65 = arith.constant 0 : i32
      %dma_start3A_66 = tpu.memref_slice %arg6[%dma_start3A_64, %dma_start3A_65] : memref<1024x64xf32, #tpu.memory_space<vmem>> -> memref<128x64xf32, #tpu.memory_space<vmem>>
      %dma_start3A_67 = arith.constant 0 : i32
      %dma_start3A_68 = tpu.memref_slice %arg5[%add3A_63, %dma_start3A_67] : memref<64x128xi32, #tpu.memory_space<vmem>> -> memref<1x128xi32, #tpu.memory_space<vmem>>
      %dma_start3A_69 = tpu.memref_squeeze %dma_start3A_68 : memref<1x128xi32, #tpu.memory_space<vmem>> -> memref<128xi32, #tpu.memory_space<vmem>>
      %dma_start3A_70 = arith.constant 0 : i32
      %dma_start3A_71 = arith.constant 0 : i32
      %dma_start3A_72 = tpu.memref_slice %arg2[%dma_start3A_70, %dma_start3A_71] : memref<16384x64xf32, #tpu.memory_space<hbm>> -> memref<16384x64xf32, #tpu.memory_space<hbm>>
      tpu.enqueue_indirect_dma source(%dma_start3A_72 : memref<16384x64xf32, #tpu.memory_space<hbm>>) target(%dma_start3A_66 : memref<128x64xf32, #tpu.memory_space<vmem>>) offsets(%dma_start3A_69 : memref<128xi32, #tpu.memory_space<vmem>>) semaphore(%arg7 : memref<!tpu.dma_semaphore, #tpu.memory_space<semaphore_mem>>)
      %mul3A_73 = arith.constant 8 : i32
      %mul3A_74 = arith.muli %scan3A_8, %mul3A_73 : i32
      %add3A_75 = arith.constant 5 : i32
      %add3A_76 = arith.addi %mul3A_74, %add3A_75 : i32
      %dma_start3A_77 = arith.constant 640 : i32
      %dma_start3A_78 = arith.constant 0 : i32
      %dma_start3A_79 = tpu.memref_slice %arg6[%dma_start3A_77, %dma_start3A_78] : memref<1024x64xf32, #tpu.memory_space<vmem>> -> memref<128x64xf32, #tpu.memory_space<vmem>>
      %dma_start3A_80 = arith.constant 0 : i32
      %dma_start3A_81 = tpu.memref_slice %arg5[%add3A_76, %dma_start3A_80] : memref<64x128xi32, #tpu.memory_space<vmem>> -> memref<1x128xi32, #tpu.memory_space<vmem>>
      %dma_start3A_82 = tpu.memref_squeeze %dma_start3A_81 : memref<1x128xi32, #tpu.memory_space<vmem>> -> memref<128xi32, #tpu.memory_space<vmem>>
      %dma_start3A_83 = arith.constant 0 : i32
      %dma_start3A_84 = arith.constant 0 : i32
      %dma_start3A_85 = tpu.memref_slice %arg2[%dma_start3A_83, %dma_start3A_84] : memref<16384x64xf32, #tpu.memory_space<hbm>> -> memref<16384x64xf32, #tpu.memory_space<hbm>>
      tpu.enqueue_indirect_dma source(%dma_start3A_85 : memref<16384x64xf32, #tpu.memory_space<hbm>>) target(%dma_start3A_79 : memref<128x64xf32, #tpu.memory_space<vmem>>) offsets(%dma_start3A_82 : memref<128xi32, #tpu.memory_space<vmem>>) semaphore(%arg7 : memref<!tpu.dma_semaphore, #tpu.memory_space<semaphore_mem>>)
      %mul3A_86 = arith.constant 8 : i32
      %mul3A_87 = arith.muli %scan3A_8, %mul3A_86 : i32
      %add3A_88 = arith.constant 6 : i32
      %add3A_89 = arith.addi %mul3A_87, %add3A_88 : i32
      %dma_start3A_90 = arith.constant 768 : i32
      %dma_start3A_91 = arith.constant 0 : i32
      %dma_start3A_92 = tpu.memref_slice %arg6[%dma_start3A_90, %dma_start3A_91] : memref<1024x64xf32, #tpu.memory_space<vmem>> -> memref<128x64xf32, #tpu.memory_space<vmem>>
      %dma_start3A_93 = arith.constant 0 : i32
      %dma_start3A_94 = tpu.memref_slice %arg5[%add3A_89, %dma_start3A_93] : memref<64x128xi32, #tpu.memory_space<vmem>> -> memref<1x128xi32, #tpu.memory_space<vmem>>
      %dma_start3A_95 = tpu.memref_squeeze %dma_start3A_94 : memref<1x128xi32, #tpu.memory_space<vmem>> -> memref<128xi32, #tpu.memory_space<vmem>>
      %dma_start3A_96 = arith.constant 0 : i32
      %dma_start3A_97 = arith.constant 0 : i32
      %dma_start3A_98 = tpu.memref_slice %arg2[%dma_start3A_96, %dma_start3A_97] : memref<16384x64xf32, #tpu.memory_space<hbm>> -> memref<16384x64xf32, #tpu.memory_space<hbm>>
      tpu.enqueue_indirect_dma source(%dma_start3A_98 : memref<16384x64xf32, #tpu.memory_space<hbm>>) target(%dma_start3A_92 : memref<128x64xf32, #tpu.memory_space<vmem>>) offsets(%dma_start3A_95 : memref<128xi32, #tpu.memory_space<vmem>>) semaphore(%arg7 : memref<!tpu.dma_semaphore, #tpu.memory_space<semaphore_mem>>)
      %mul3A_99 = arith.constant 8 : i32
      %mul3A_100 = arith.muli %scan3A_8, %mul3A_99 : i32
      %add3A_101 = arith.constant 7 : i32
      %add3A_102 = arith.addi %mul3A_100, %add3A_101 : i32
      %dma_start3A_103 = arith.constant 896 : i32
      %dma_start3A_104 = arith.constant 0 : i32
      %dma_start3A_105 = tpu.memref_slice %arg6[%dma_start3A_103, %dma_start3A_104] : memref<1024x64xf32, #tpu.memory_space<vmem>> -> memref<128x64xf32, #tpu.memory_space<vmem>>
      %dma_start3A_106 = arith.constant 0 : i32
      %dma_start3A_107 = tpu.memref_slice %arg5[%add3A_102, %dma_start3A_106] : memref<64x128xi32, #tpu.memory_space<vmem>> -> memref<1x128xi32, #tpu.memory_space<vmem>>
      %dma_start3A_108 = tpu.memref_squeeze %dma_start3A_107 : memref<1x128xi32, #tpu.memory_space<vmem>> -> memref<128xi32, #tpu.memory_space<vmem>>
      %dma_start3A_109 = arith.constant 0 : i32
      %dma_start3A_110 = arith.constant 0 : i32
      %dma_start3A_111 = tpu.memref_slice %arg2[%dma_start3A_109, %dma_start3A_110] : memref<16384x64xf32, #tpu.memory_space<hbm>> -> memref<16384x64xf32, #tpu.memory_space<hbm>>
      tpu.enqueue_indirect_dma source(%dma_start3A_111 : memref<16384x64xf32, #tpu.memory_space<hbm>>) target(%dma_start3A_105 : memref<128x64xf32, #tpu.memory_space<vmem>>) offsets(%dma_start3A_108 : memref<128xi32, #tpu.memory_space<vmem>>) semaphore(%arg7 : memref<!tpu.dma_semaphore, #tpu.memory_space<semaphore_mem>>)
      %dma_wait3A = arith.constant 0 : i32
      %dma_wait3A_112 = arith.constant 0 : i32
      %dma_wait3A_113 = tpu.memref_slice %arg6[%dma_wait3A, %dma_wait3A_112] : memref<1024x64xf32, #tpu.memory_space<vmem>> -> memref<128x64xf32, #tpu.memory_space<vmem>>
      %dma_wait3A_114 = arith.constant 0 : i32
      %dma_wait3A_115 = tpu.memref_slice %arg5[%add3A_12, %dma_wait3A_114] : memref<64x128xi32, #tpu.memory_space<vmem>> -> memref<1x128xi32, #tpu.memory_space<vmem>>
      %dma_wait3A_116 = tpu.memref_squeeze %dma_wait3A_115 : memref<1x128xi32, #tpu.memory_space<vmem>> -> memref<128xi32, #tpu.memory_space<vmem>>
      %dma_wait3A_117 = arith.constant 0 : i32
      %dma_wait3A_118 = arith.constant 0 : i32
      %dma_wait3A_119 = tpu.memref_slice %arg2[%dma_wait3A_117, %dma_wait3A_118] : memref<16384x64xf32, #tpu.memory_space<hbm>> -> memref<16384x64xf32, #tpu.memory_space<hbm>>
      tpu.wait_indirect_dma semaphore(%arg7 : memref<!tpu.dma_semaphore, #tpu.memory_space<semaphore_mem>>) src(%dma_wait3A_119 : memref<16384x64xf32, #tpu.memory_space<hbm>>) dst(%dma_wait3A_113 : memref<128x64xf32, #tpu.memory_space<vmem>>)
      %dma_wait3A_120 = arith.constant 128 : i32
      %dma_wait3A_121 = arith.constant 0 : i32
      %dma_wait3A_122 = tpu.memref_slice %arg6[%dma_wait3A_120, %dma_wait3A_121] : memref<1024x64xf32, #tpu.memory_space<vmem>> -> memref<128x64xf32, #tpu.memory_space<vmem>>
      %dma_wait3A_123 = arith.constant 0 : i32
      %dma_wait3A_124 = tpu.memref_slice %arg5[%add3A_24, %dma_wait3A_123] : memref<64x128xi32, #tpu.memory_space<vmem>> -> memref<1x128xi32, #tpu.memory_space<vmem>>
      %dma_wait3A_125 = tpu.memref_squeeze %dma_wait3A_124 : memref<1x128xi32, #tpu.memory_space<vmem>> -> memref<128xi32, #tpu.memory_space<vmem>>
      %dma_wait3A_126 = arith.constant 0 : i32
      %dma_wait3A_127 = arith.constant 0 : i32
      %dma_wait3A_128 = tpu.memref_slice %arg2[%dma_wait3A_126, %dma_wait3A_127] : memref<16384x64xf32, #tpu.memory_space<hbm>> -> memref<16384x64xf32, #tpu.memory_space<hbm>>
      tpu.wait_indirect_dma semaphore(%arg7 : memref<!tpu.dma_semaphore, #tpu.memory_space<semaphore_mem>>) src(%dma_wait3A_128 : memref<16384x64xf32, #tpu.memory_space<hbm>>) dst(%dma_wait3A_122 : memref<128x64xf32, #tpu.memory_space<vmem>>)
      %dma_wait3A_129 = arith.constant 256 : i32
      %dma_wait3A_130 = arith.constant 0 : i32
      %dma_wait3A_131 = tpu.memref_slice %arg6[%dma_wait3A_129, %dma_wait3A_130] : memref<1024x64xf32, #tpu.memory_space<vmem>> -> memref<128x64xf32, #tpu.memory_space<vmem>>
      %dma_wait3A_132 = arith.constant 0 : i32
      %dma_wait3A_133 = tpu.memref_slice %arg5[%add3A_37, %dma_wait3A_132] : memref<64x128xi32, #tpu.memory_space<vmem>> -> memref<1x128xi32, #tpu.memory_space<vmem>>
      %dma_wait3A_134 = tpu.memref_squeeze %dma_wait3A_133 : memref<1x128xi32, #tpu.memory_space<vmem>> -> memref<128xi32, #tpu.memory_space<vmem>>
      %dma_wait3A_135 = arith.constant 0 : i32
      %dma_wait3A_136 = arith.constant 0 : i32
      %dma_wait3A_137 = tpu.memref_slice %arg2[%dma_wait3A_135, %dma_wait3A_136] : memref<16384x64xf32, #tpu.memory_space<hbm>> -> memref<16384x64xf32, #tpu.memory_space<hbm>>
      tpu.wait_indirect_dma semaphore(%arg7 : memref<!tpu.dma_semaphore, #tpu.memory_space<semaphore_mem>>) src(%dma_wait3A_137 : memref<16384x64xf32, #tpu.memory_space<hbm>>) dst(%dma_wait3A_131 : memref<128x64xf32, #tpu.memory_space<vmem>>)
      %dma_wait3A_138 = arith.constant 384 : i32
      %dma_wait3A_139 = arith.constant 0 : i32
      %dma_wait3A_140 = tpu.memref_slice %arg6[%dma_wait3A_138, %dma_wait3A_139] : memref<1024x64xf32, #tpu.memory_space<vmem>> -> memref<128x64xf32, #tpu.memory_space<vmem>>
      %dma_wait3A_141 = arith.constant 0 : i32
      %dma_wait3A_142 = tpu.memref_slice %arg5[%add3A_50, %dma_wait3A_141] : memref<64x128xi32, #tpu.memory_space<vmem>> -> memref<1x128xi32, #tpu.memory_space<vmem>>
      %dma_wait3A_143 = tpu.memref_squeeze %dma_wait3A_142 : memref<1x128xi32, #tpu.memory_space<vmem>> -> memref<128xi32, #tpu.memory_space<vmem>>
      %dma_wait3A_144 = arith.constant 0 : i32
      %dma_wait3A_145 = arith.constant 0 : i32
      %dma_wait3A_146 = tpu.memref_slice %arg2[%dma_wait3A_144, %dma_wait3A_145] : memref<16384x64xf32, #tpu.memory_space<hbm>> -> memref<16384x64xf32, #tpu.memory_space<hbm>>
      tpu.wait_indirect_dma semaphore(%arg7 : memref<!tpu.dma_semaphore, #tpu.memory_space<semaphore_mem>>) src(%dma_wait3A_146 : memref<16384x64xf32, #tpu.memory_space<hbm>>) dst(%dma_wait3A_140 : memref<128x64xf32, #tpu.memory_space<vmem>>)
      %dma_wait3A_147 = arith.constant 512 : i32
      %dma_wait3A_148 = arith.constant 0 : i32
      %dma_wait3A_149 = tpu.memref_slice %arg6[%dma_wait3A_147, %dma_wait3A_148] : memref<1024x64xf32, #tpu.memory_space<vmem>> -> memref<128x64xf32, #tpu.memory_space<vmem>>
      %dma_wait3A_150 = arith.constant 0 : i32
      %dma_wait3A_151 = tpu.memref_slice %arg5[%add3A_63, %dma_wait3A_150] : memref<64x128xi32, #tpu.memory_space<vmem>> -> memref<1x128xi32, #tpu.memory_space<vmem>>
      %dma_wait3A_152 = tpu.memref_squeeze %dma_wait3A_151 : memref<1x128xi32, #tpu.memory_space<vmem>> -> memref<128xi32, #tpu.memory_space<vmem>>
      %dma_wait3A_153 = arith.constant 0 : i32
      %dma_wait3A_154 = arith.constant 0 : i32
      %dma_wait3A_155 = tpu.memref_slice %arg2[%dma_wait3A_153, %dma_wait3A_154] : memref<16384x64xf32, #tpu.memory_space<hbm>> -> memref<16384x64xf32, #tpu.memory_space<hbm>>
      tpu.wait_indirect_dma semaphore(%arg7 : memref<!tpu.dma_semaphore, #tpu.memory_space<semaphore_mem>>) src(%dma_wait3A_155 : memref<16384x64xf32, #tpu.memory_space<hbm>>) dst(%dma_wait3A_149 : memref<128x64xf32, #tpu.memory_space<vmem>>)
      %dma_wait3A_156 = arith.constant 640 : i32
      %dma_wait3A_157 = arith.constant 0 : i32
      %dma_wait3A_158 = tpu.memref_slice %arg6[%dma_wait3A_156, %dma_wait3A_157] : memref<1024x64xf32, #tpu.memory_space<vmem>> -> memref<128x64xf32, #tpu.memory_space<vmem>>
      %dma_wait3A_159 = arith.constant 0 : i32
      %dma_wait3A_160 = tpu.memref_slice %arg5[%add3A_76, %dma_wait3A_159] : memref<64x128xi32, #tpu.memory_space<vmem>> -> memref<1x128xi32, #tpu.memory_space<vmem>>
      %dma_wait3A_161 = tpu.memref_squeeze %dma_wait3A_160 : memref<1x128xi32, #tpu.memory_space<vmem>> -> memref<128xi32, #tpu.memory_space<vmem>>
      %dma_wait3A_162 = arith.constant 0 : i32
      %dma_wait3A_163 = arith.constant 0 : i32
      %dma_wait3A_164 = tpu.memref_slice %arg2[%dma_wait3A_162, %dma_wait3A_163] : memref<16384x64xf32, #tpu.memory_space<hbm>> -> memref<16384x64xf32, #tpu.memory_space<hbm>>
      tpu.wait_indirect_dma semaphore(%arg7 : memref<!tpu.dma_semaphore, #tpu.memory_space<semaphore_mem>>) src(%dma_wait3A_164 : memref<16384x64xf32, #tpu.memory_space<hbm>>) dst(%dma_wait3A_158 : memref<128x64xf32, #tpu.memory_space<vmem>>)
      %dma_wait3A_165 = arith.constant 768 : i32
      %dma_wait3A_166 = arith.constant 0 : i32
      %dma_wait3A_167 = tpu.memref_slice %arg6[%dma_wait3A_165, %dma_wait3A_166] : memref<1024x64xf32, #tpu.memory_space<vmem>> -> memref<128x64xf32, #tpu.memory_space<vmem>>
      %dma_wait3A_168 = arith.constant 0 : i32
      %dma_wait3A_169 = tpu.memref_slice %arg5[%add3A_89, %dma_wait3A_168] : memref<64x128xi32, #tpu.memory_space<vmem>> -> memref<1x128xi32, #tpu.memory_space<vmem>>
      %dma_wait3A_170 = tpu.memref_squeeze %dma_wait3A_169 : memref<1x128xi32, #tpu.memory_space<vmem>> -> memref<128xi32, #tpu.memory_space<vmem>>
      %dma_wait3A_171 = arith.constant 0 : i32
      %dma_wait3A_172 = arith.constant 0 : i32
      %dma_wait3A_173 = tpu.memref_slice %arg2[%dma_wait3A_171, %dma_wait3A_172] : memref<16384x64xf32, #tpu.memory_space<hbm>> -> memref<16384x64xf32, #tpu.memory_space<hbm>>
      tpu.wait_indirect_dma semaphore(%arg7 : memref<!tpu.dma_semaphore, #tpu.memory_space<semaphore_mem>>) src(%dma_wait3A_173 : memref<16384x64xf32, #tpu.memory_space<hbm>>) dst(%dma_wait3A_167 : memref<128x64xf32, #tpu.memory_space<vmem>>)
      %dma_wait3A_174 = arith.constant 896 : i32
      %dma_wait3A_175 = arith.constant 0 : i32
      %dma_wait3A_176 = tpu.memref_slice %arg6[%dma_wait3A_174, %dma_wait3A_175] : memref<1024x64xf32, #tpu.memory_space<vmem>> -> memref<128x64xf32, #tpu.memory_space<vmem>>
      %dma_wait3A_177 = arith.constant 0 : i32
      %dma_wait3A_178 = tpu.memref_slice %arg5[%add3A_102, %dma_wait3A_177] : memref<64x128xi32, #tpu.memory_space<vmem>> -> memref<1x128xi32, #tpu.memory_space<vmem>>
      %dma_wait3A_179 = tpu.memref_squeeze %dma_wait3A_178 : memref<1x128xi32, #tpu.memory_space<vmem>> -> memref<128xi32, #tpu.memory_space<vmem>>
      %dma_wait3A_180 = arith.constant 0 : i32
      %dma_wait3A_181 = arith.constant 0 : i32
      %dma_wait3A_182 = tpu.memref_slice %arg2[%dma_wait3A_180, %dma_wait3A_181] : memref<16384x64xf32, #tpu.memory_space<hbm>> -> memref<16384x64xf32, #tpu.memory_space<hbm>>
      tpu.wait_indirect_dma semaphore(%arg7 : memref<!tpu.dma_semaphore, #tpu.memory_space<semaphore_mem>>) src(%dma_wait3A_182 : memref<16384x64xf32, #tpu.memory_space<hbm>>) dst(%dma_wait3A_176 : memref<128x64xf32, #tpu.memory_space<vmem>>)
      %mul3A_183 = arith.constant 1024 : i32
      %mul3A_184 = arith.muli %scan3A_8, %mul3A_183 : i32
      %add3A_185 = arith.addi %mul3A_2, %mul3A_184 : i32
      "tpu.region"() ({
        %run_scoped3A = tpu.sem_alloc : memref<!tpu.dma_semaphore, #tpu.memory_space<semaphore_mem>>
        %dma_start3A_186 = arith.constant 0 : i32
        %dma_start3A_187 = tpu.memref_slice %arg4[%add3A_185, %dma_start3A_186] : memref<262144x64xf32, #tpu.memory_space<hbm>> -> memref<1024x64xf32, #tpu.memory_space<hbm>>
        %dma_start3A_188 = arith.constant 0 : i32
        %dma_start3A_189 = tpu.memref_slice %arg4[%add3A_185, %dma_start3A_188] : memref<262144x64xf32, #tpu.memory_space<hbm>> -> memref<1024x64xf32, #tpu.memory_space<hbm>>
        tpu.enqueue_dma source(%arg6 : memref<1024x64xf32, #tpu.memory_space<vmem>>) target(%dma_start3A_189 : memref<1024x64xf32, #tpu.memory_space<hbm>>) target_semaphore(%run_scoped3A : memref<!tpu.dma_semaphore, #tpu.memory_space<semaphore_mem>>)
        %dma_wait3A_190 = arith.constant 0 : i32
        %dma_wait3A_191 = tpu.memref_slice %arg4[%add3A_185, %dma_wait3A_190] : memref<262144x64xf32, #tpu.memory_space<hbm>> -> memref<1024x64xf32, #tpu.memory_space<hbm>>
        %dma_wait3A_192 = arith.constant 0 : i32
        %dma_wait3A_193 = tpu.memref_slice %arg4[%add3A_185, %dma_wait3A_192] : memref<262144x64xf32, #tpu.memory_space<hbm>> -> memref<1024x64xf32, #tpu.memory_space<hbm>>
        tpu.wait_dma2 semaphore(%run_scoped3A : memref<!tpu.dma_semaphore, #tpu.memory_space<semaphore_mem>>) src(%arg6 : memref<1024x64xf32, #tpu.memory_space<vmem>>) dst(%dma_wait3A_193 : memref<1024x64xf32, #tpu.memory_space<hbm>>)
        tpu.yield
      }) : () -> ()
    }
    %scan3A_7 = arith.constant 8 : i32
    return
  }
}

module attributes {stable_mosaic.version = 14 : i64} {
  func.func @_knn_body(%arg0: i32, %arg1: i32, %arg2: memref<1x64x4096xf32, #tpu.memory_space<vmem>>, %arg3: memref<1x512x16xi32, #tpu.memory_space<vmem>>, %arg4: memref<1x512x64xf32, #tpu.memory_space<vmem>>) attributes {dimension_semantics = [#tpu.dimension_semantics<arbitrary>, #tpu.dimension_semantics<arbitrary>], iteration_bounds = array<i64: 4, 8>, scalar_prefetch = 0 : i64, scratch_operands = 0 : i64, tpu.core_type = #tpu.core_type<tc>, window_params = [{transform_indices = @transform_0, window_bounds = array<i64: 1, 64, 4096>}, {transform_indices = @transform_1, window_bounds = array<i64: 1, 512, 16>}, {transform_indices = @transform_2, window_bounds = array<i64: 1, 512, 64>}]} {
    %get3A = arith.constant 0 : index
    %get3A_0 = arith.constant 0 : index
    %get3A_1 = arith.constant 0 : index
    %get3A_2 = vector.load %arg2[%get3A, %get3A_0, %get3A_1] : memref<1x64x4096xf32, #tpu.memory_space<vmem>>, vector<1x64x4096xf32>
    %get3A_3 = vector.shape_cast %get3A_2 : vector<1x64x4096xf32> to vector<64x4096xf32>
    %mul3A = arith.constant 512 : i32
    %mul3A_4 = arith.muli %arg1, %mul3A : i32
    %multiple_of3A = tpu.assume_multiple %mul3A_4, 512 : i32
    %get3A_5 = arith.constant 0 : index
    %get3A_6 = arith.constant 0 : index
    %get3A_7 = arith.index_cast %multiple_of3A : i32 to index
    %get3A_8 = vector.load %arg2[%get3A_5, %get3A_6, %get3A_7] : memref<1x64x4096xf32, #tpu.memory_space<vmem>>, vector<1x64x512xf32>
    %get3A_9 = vector.shape_cast %get3A_8 : vector<1x64x512xf32> to vector<64x512xf32>
    %convert_element_type3A = arith.truncf %get3A_3 : vector<64x4096xf32> to vector<64x4096xbf16>
    %convert_element_type3A_10 = arith.truncf %get3A_9 : vector<64x512xf32> to vector<64x512xbf16>
    %dot_general3A = arith.constant dense<0.000000e+00> : vector<512x4096xf32>
    %dot_general3A_11 = tpu.matmul %convert_element_type3A_10, %convert_element_type3A, %dot_general3A {dimension_numbers = #tpu.dot_dimension_numbers<[0], [0], [1], [1], [0, 1, 1, 1], [], []>, transpose_lhs_hint = false} : vector<64x512xbf16>, vector<64x4096xbf16>, vector<512x4096xf32> -> vector<512x4096xf32>
    %mul3A_12 = arith.constant -2.000000e+00 : f32
    %mul3A_13 = vector.broadcast %mul3A_12 : f32 to vector<512x4096xf32>
    %mul3A_14 = arith.mulf %mul3A_13, %dot_general3A_11 : vector<512x4096xf32>
    %mul3A_15 = arith.mulf %get3A_3, %get3A_3 : vector<64x4096xf32>
    %reduce_sum3A = arith.constant dense<0.000000e+00> : vector<4096xf32>
    %reduce_sum3A_16 = vector.multi_reduction <add>, %mul3A_15, %reduce_sum3A [0] : vector<64x4096xf32> to vector<4096xf32>
    %broadcast_in_dim3A = vector.shape_cast %reduce_sum3A_16 : vector<4096xf32> to vector<1x4096xf32>
    %neg3A = arith.constant 0.000000e+00 : f32
    %neg3A_17 = vector.broadcast %neg3A : f32 to vector<1x4096xf32>
    %neg3A_18 = arith.subf %neg3A_17, %broadcast_in_dim3A : vector<1x4096xf32>
    %sub3A = vector.broadcast %neg3A_18 : vector<1x4096xf32> to vector<512x4096xf32>
    %sub3A_19 = arith.subf %sub3A, %mul3A_14 : vector<512x4096xf32>
    %iota3A = tpu.iota {dimensions = array<i32: 1>} : vector<512x4096xi32>
    %convert_element_type3A_20 = arith.sitofp %iota3A : vector<512x4096xi32> to vector<512x4096xf32>
    %iota3A_21 = tpu.iota {dimensions = array<i32: 0>} : vector<512x1xi32>
    %add3A = vector.broadcast %multiple_of3A : i32 to vector<512x1xi32>
    %add3A_22 = arith.addi %iota3A_21, %add3A : vector<512x1xi32>
    %convert_element_type3A_23 = arith.sitofp %add3A_22 : vector<512x1xi32> to vector<512x1xf32>
    %eq3A = vector.broadcast %convert_element_type3A_23 : vector<512x1xf32> to vector<512x4096xf32>
    %eq3A_24 = arith.cmpf oeq, %convert_element_type3A_20, %eq3A : vector<512x4096xf32>
    %jit3A = arith.constant -3.000000e+38 : f32
    %broadcast_in_dim3A_25 = vector.broadcast %jit3A : f32 to vector<512x4096xf32>
    %select_n3A = arith.select %eq3A_24, %broadcast_in_dim3A_25, %sub3A_19 : vector<512x4096xi1>, vector<512x4096xf32>
    %reduce_max3A = arith.constant dense<0xFF800000> : vector<512xf32>
    %reduce_max3A_26 = vector.multi_reduction <maximumf>, %select_n3A, %reduce_max3A [1] : vector<512x4096xf32> to vector<512xf32>
    %broadcast_in_dim3A_27 = vector.shape_cast %reduce_max3A_26 : vector<512xf32> to vector<512x1xf32>
    %eq3A_28 = vector.broadcast %broadcast_in_dim3A_27 : vector<512x1xf32> to vector<512x4096xf32>
    %eq3A_29 = arith.cmpf oeq, %select_n3A, %eq3A_28 : vector<512x4096xf32>
    %jit3A_30 = arith.constant 4.096000e+03 : f32
    %broadcast_in_dim3A_31 = vector.broadcast %jit3A_30 : f32 to vector<512x4096xf32>
    %select_n3A_32 = arith.select %eq3A_29, %convert_element_type3A_20, %broadcast_in_dim3A_31 : vector<512x4096xi1>, vector<512x4096xf32>
    %reduce_min3A = arith.constant dense<0x7F800000> : vector<512xf32>
    %reduce_min3A_33 = vector.multi_reduction <minimumf>, %select_n3A_32, %reduce_min3A [1] : vector<512x4096xf32> to vector<512xf32>
    %broadcast_in_dim3A_34 = vector.shape_cast %reduce_min3A_33 : vector<512xf32> to vector<512x1xf32>
    %eq3A_35 = vector.broadcast %broadcast_in_dim3A_34 : vector<512x1xf32> to vector<512x4096xf32>
    %eq3A_36 = arith.cmpf oeq, %convert_element_type3A_20, %eq3A_35 : vector<512x4096xf32>
    %jit3A_37 = arith.constant -3.000000e+38 : f32
    %broadcast_in_dim3A_38 = vector.broadcast %jit3A_37 : f32 to vector<512x4096xf32>
    %select_n3A_39 = arith.select %eq3A_36, %broadcast_in_dim3A_38, %select_n3A : vector<512x4096xi1>, vector<512x4096xf32>
    %reduce_max3A_40 = arith.constant dense<0xFF800000> : vector<512xf32>
    %reduce_max3A_41 = vector.multi_reduction <maximumf>, %select_n3A_39, %reduce_max3A_40 [1] : vector<512x4096xf32> to vector<512xf32>
    %broadcast_in_dim3A_42 = vector.shape_cast %reduce_max3A_41 : vector<512xf32> to vector<512x1xf32>
    %eq3A_43 = vector.broadcast %broadcast_in_dim3A_42 : vector<512x1xf32> to vector<512x4096xf32>
    %eq3A_44 = arith.cmpf oeq, %select_n3A_39, %eq3A_43 : vector<512x4096xf32>
    %jit3A_45 = arith.constant 4.096000e+03 : f32
    %broadcast_in_dim3A_46 = vector.broadcast %jit3A_45 : f32 to vector<512x4096xf32>
    %select_n3A_47 = arith.select %eq3A_44, %convert_element_type3A_20, %broadcast_in_dim3A_46 : vector<512x4096xi1>, vector<512x4096xf32>
    %reduce_min3A_48 = arith.constant dense<0x7F800000> : vector<512xf32>
    %reduce_min3A_49 = vector.multi_reduction <minimumf>, %select_n3A_47, %reduce_min3A_48 [1] : vector<512x4096xf32> to vector<512xf32>
    %broadcast_in_dim3A_50 = vector.shape_cast %reduce_min3A_49 : vector<512xf32> to vector<512x1xf32>
    %eq3A_51 = vector.broadcast %broadcast_in_dim3A_50 : vector<512x1xf32> to vector<512x4096xf32>
    %eq3A_52 = arith.cmpf oeq, %convert_element_type3A_20, %eq3A_51 : vector<512x4096xf32>
    %jit3A_53 = arith.constant -3.000000e+38 : f32
    %broadcast_in_dim3A_54 = vector.broadcast %jit3A_53 : f32 to vector<512x4096xf32>
    %select_n3A_55 = arith.select %eq3A_52, %broadcast_in_dim3A_54, %select_n3A_39 : vector<512x4096xi1>, vector<512x4096xf32>
    %reduce_max3A_56 = arith.constant dense<0xFF800000> : vector<512xf32>
    %reduce_max3A_57 = vector.multi_reduction <maximumf>, %select_n3A_55, %reduce_max3A_56 [1] : vector<512x4096xf32> to vector<512xf32>
    %broadcast_in_dim3A_58 = vector.shape_cast %reduce_max3A_57 : vector<512xf32> to vector<512x1xf32>
    %eq3A_59 = vector.broadcast %broadcast_in_dim3A_58 : vector<512x1xf32> to vector<512x4096xf32>
    %eq3A_60 = arith.cmpf oeq, %select_n3A_55, %eq3A_59 : vector<512x4096xf32>
    %jit3A_61 = arith.constant 4.096000e+03 : f32
    %broadcast_in_dim3A_62 = vector.broadcast %jit3A_61 : f32 to vector<512x4096xf32>
    %select_n3A_63 = arith.select %eq3A_60, %convert_element_type3A_20, %broadcast_in_dim3A_62 : vector<512x4096xi1>, vector<512x4096xf32>
    %reduce_min3A_64 = arith.constant dense<0x7F800000> : vector<512xf32>
    %reduce_min3A_65 = vector.multi_reduction <minimumf>, %select_n3A_63, %reduce_min3A_64 [1] : vector<512x4096xf32> to vector<512xf32>
    %broadcast_in_dim3A_66 = vector.shape_cast %reduce_min3A_65 : vector<512xf32> to vector<512x1xf32>
    %eq3A_67 = vector.broadcast %broadcast_in_dim3A_66 : vector<512x1xf32> to vector<512x4096xf32>
    %eq3A_68 = arith.cmpf oeq, %convert_element_type3A_20, %eq3A_67 : vector<512x4096xf32>
    %jit3A_69 = arith.constant -3.000000e+38 : f32
    %broadcast_in_dim3A_70 = vector.broadcast %jit3A_69 : f32 to vector<512x4096xf32>
    %select_n3A_71 = arith.select %eq3A_68, %broadcast_in_dim3A_70, %select_n3A_55 : vector<512x4096xi1>, vector<512x4096xf32>
    %reduce_max3A_72 = arith.constant dense<0xFF800000> : vector<512xf32>
    %reduce_max3A_73 = vector.multi_reduction <maximumf>, %select_n3A_71, %reduce_max3A_72 [1] : vector<512x4096xf32> to vector<512xf32>
    %broadcast_in_dim3A_74 = vector.shape_cast %reduce_max3A_73 : vector<512xf32> to vector<512x1xf32>
    %eq3A_75 = vector.broadcast %broadcast_in_dim3A_74 : vector<512x1xf32> to vector<512x4096xf32>
    %eq3A_76 = arith.cmpf oeq, %select_n3A_71, %eq3A_75 : vector<512x4096xf32>
    %jit3A_77 = arith.constant 4.096000e+03 : f32
    %broadcast_in_dim3A_78 = vector.broadcast %jit3A_77 : f32 to vector<512x4096xf32>
    %select_n3A_79 = arith.select %eq3A_76, %convert_element_type3A_20, %broadcast_in_dim3A_78 : vector<512x4096xi1>, vector<512x4096xf32>
    %reduce_min3A_80 = arith.constant dense<0x7F800000> : vector<512xf32>
    %reduce_min3A_81 = vector.multi_reduction <minimumf>, %select_n3A_79, %reduce_min3A_80 [1] : vector<512x4096xf32> to vector<512xf32>
    %broadcast_in_dim3A_82 = vector.shape_cast %reduce_min3A_81 : vector<512xf32> to vector<512x1xf32>
    %eq3A_83 = vector.broadcast %broadcast_in_dim3A_82 : vector<512x1xf32> to vector<512x4096xf32>
    %eq3A_84 = arith.cmpf oeq, %convert_element_type3A_20, %eq3A_83 : vector<512x4096xf32>
    %jit3A_85 = arith.constant -3.000000e+38 : f32
    %broadcast_in_dim3A_86 = vector.broadcast %jit3A_85 : f32 to vector<512x4096xf32>
    %select_n3A_87 = arith.select %eq3A_84, %broadcast_in_dim3A_86, %select_n3A_71 : vector<512x4096xi1>, vector<512x4096xf32>
    %reduce_max3A_88 = arith.constant dense<0xFF800000> : vector<512xf32>
    %reduce_max3A_89 = vector.multi_reduction <maximumf>, %select_n3A_87, %reduce_max3A_88 [1] : vector<512x4096xf32> to vector<512xf32>
    %broadcast_in_dim3A_90 = vector.shape_cast %reduce_max3A_89 : vector<512xf32> to vector<512x1xf32>
    %eq3A_91 = vector.broadcast %broadcast_in_dim3A_90 : vector<512x1xf32> to vector<512x4096xf32>
    %eq3A_92 = arith.cmpf oeq, %select_n3A_87, %eq3A_91 : vector<512x4096xf32>
    %jit3A_93 = arith.constant 4.096000e+03 : f32
    %broadcast_in_dim3A_94 = vector.broadcast %jit3A_93 : f32 to vector<512x4096xf32>
    %select_n3A_95 = arith.select %eq3A_92, %convert_element_type3A_20, %broadcast_in_dim3A_94 : vector<512x4096xi1>, vector<512x4096xf32>
    %reduce_min3A_96 = arith.constant dense<0x7F800000> : vector<512xf32>
    %reduce_min3A_97 = vector.multi_reduction <minimumf>, %select_n3A_95, %reduce_min3A_96 [1] : vector<512x4096xf32> to vector<512xf32>
    %broadcast_in_dim3A_98 = vector.shape_cast %reduce_min3A_97 : vector<512xf32> to vector<512x1xf32>
    %eq3A_99 = vector.broadcast %broadcast_in_dim3A_98 : vector<512x1xf32> to vector<512x4096xf32>
    %eq3A_100 = arith.cmpf oeq, %convert_element_type3A_20, %eq3A_99 : vector<512x4096xf32>
    %jit3A_101 = arith.constant -3.000000e+38 : f32
    %broadcast_in_dim3A_102 = vector.broadcast %jit3A_101 : f32 to vector<512x4096xf32>
    %select_n3A_103 = arith.select %eq3A_100, %broadcast_in_dim3A_102, %select_n3A_87 : vector<512x4096xi1>, vector<512x4096xf32>
    %reduce_max3A_104 = arith.constant dense<0xFF800000> : vector<512xf32>
    %reduce_max3A_105 = vector.multi_reduction <maximumf>, %select_n3A_103, %reduce_max3A_104 [1] : vector<512x4096xf32> to vector<512xf32>
    %broadcast_in_dim3A_106 = vector.shape_cast %reduce_max3A_105 : vector<512xf32> to vector<512x1xf32>
    %eq3A_107 = vector.broadcast %broadcast_in_dim3A_106 : vector<512x1xf32> to vector<512x4096xf32>
    %eq3A_108 = arith.cmpf oeq, %select_n3A_103, %eq3A_107 : vector<512x4096xf32>
    %jit3A_109 = arith.constant 4.096000e+03 : f32
    %broadcast_in_dim3A_110 = vector.broadcast %jit3A_109 : f32 to vector<512x4096xf32>
    %select_n3A_111 = arith.select %eq3A_108, %convert_element_type3A_20, %broadcast_in_dim3A_110 : vector<512x4096xi1>, vector<512x4096xf32>
    %reduce_min3A_112 = arith.constant dense<0x7F800000> : vector<512xf32>
    %reduce_min3A_113 = vector.multi_reduction <minimumf>, %select_n3A_111, %reduce_min3A_112 [1] : vector<512x4096xf32> to vector<512xf32>
    %broadcast_in_dim3A_114 = vector.shape_cast %reduce_min3A_113 : vector<512xf32> to vector<512x1xf32>
    %eq3A_115 = vector.broadcast %broadcast_in_dim3A_114 : vector<512x1xf32> to vector<512x4096xf32>
    %eq3A_116 = arith.cmpf oeq, %convert_element_type3A_20, %eq3A_115 : vector<512x4096xf32>
    %jit3A_117 = arith.constant -3.000000e+38 : f32
    %broadcast_in_dim3A_118 = vector.broadcast %jit3A_117 : f32 to vector<512x4096xf32>
    %select_n3A_119 = arith.select %eq3A_116, %broadcast_in_dim3A_118, %select_n3A_103 : vector<512x4096xi1>, vector<512x4096xf32>
    %reduce_max3A_120 = arith.constant dense<0xFF800000> : vector<512xf32>
    %reduce_max3A_121 = vector.multi_reduction <maximumf>, %select_n3A_119, %reduce_max3A_120 [1] : vector<512x4096xf32> to vector<512xf32>
    %broadcast_in_dim3A_122 = vector.shape_cast %reduce_max3A_121 : vector<512xf32> to vector<512x1xf32>
    %eq3A_123 = vector.broadcast %broadcast_in_dim3A_122 : vector<512x1xf32> to vector<512x4096xf32>
    %eq3A_124 = arith.cmpf oeq, %select_n3A_119, %eq3A_123 : vector<512x4096xf32>
    %jit3A_125 = arith.constant 4.096000e+03 : f32
    %broadcast_in_dim3A_126 = vector.broadcast %jit3A_125 : f32 to vector<512x4096xf32>
    %select_n3A_127 = arith.select %eq3A_124, %convert_element_type3A_20, %broadcast_in_dim3A_126 : vector<512x4096xi1>, vector<512x4096xf32>
    %reduce_min3A_128 = arith.constant dense<0x7F800000> : vector<512xf32>
    %reduce_min3A_129 = vector.multi_reduction <minimumf>, %select_n3A_127, %reduce_min3A_128 [1] : vector<512x4096xf32> to vector<512xf32>
    %broadcast_in_dim3A_130 = vector.shape_cast %reduce_min3A_129 : vector<512xf32> to vector<512x1xf32>
    %eq3A_131 = vector.broadcast %broadcast_in_dim3A_130 : vector<512x1xf32> to vector<512x4096xf32>
    %eq3A_132 = arith.cmpf oeq, %convert_element_type3A_20, %eq3A_131 : vector<512x4096xf32>
    %jit3A_133 = arith.constant -3.000000e+38 : f32
    %broadcast_in_dim3A_134 = vector.broadcast %jit3A_133 : f32 to vector<512x4096xf32>
    %select_n3A_135 = arith.select %eq3A_132, %broadcast_in_dim3A_134, %select_n3A_119 : vector<512x4096xi1>, vector<512x4096xf32>
    %reduce_max3A_136 = arith.constant dense<0xFF800000> : vector<512xf32>
    %reduce_max3A_137 = vector.multi_reduction <maximumf>, %select_n3A_135, %reduce_max3A_136 [1] : vector<512x4096xf32> to vector<512xf32>
    %broadcast_in_dim3A_138 = vector.shape_cast %reduce_max3A_137 : vector<512xf32> to vector<512x1xf32>
    %eq3A_139 = vector.broadcast %broadcast_in_dim3A_138 : vector<512x1xf32> to vector<512x4096xf32>
    %eq3A_140 = arith.cmpf oeq, %select_n3A_135, %eq3A_139 : vector<512x4096xf32>
    %jit3A_141 = arith.constant 4.096000e+03 : f32
    %broadcast_in_dim3A_142 = vector.broadcast %jit3A_141 : f32 to vector<512x4096xf32>
    %select_n3A_143 = arith.select %eq3A_140, %convert_element_type3A_20, %broadcast_in_dim3A_142 : vector<512x4096xi1>, vector<512x4096xf32>
    %reduce_min3A_144 = arith.constant dense<0x7F800000> : vector<512xf32>
    %reduce_min3A_145 = vector.multi_reduction <minimumf>, %select_n3A_143, %reduce_min3A_144 [1] : vector<512x4096xf32> to vector<512xf32>
    %broadcast_in_dim3A_146 = vector.shape_cast %reduce_min3A_145 : vector<512xf32> to vector<512x1xf32>
    %eq3A_147 = vector.broadcast %broadcast_in_dim3A_146 : vector<512x1xf32> to vector<512x4096xf32>
    %eq3A_148 = arith.cmpf oeq, %convert_element_type3A_20, %eq3A_147 : vector<512x4096xf32>
    %jit3A_149 = arith.constant -3.000000e+38 : f32
    %broadcast_in_dim3A_150 = vector.broadcast %jit3A_149 : f32 to vector<512x4096xf32>
    %select_n3A_151 = arith.select %eq3A_148, %broadcast_in_dim3A_150, %select_n3A_135 : vector<512x4096xi1>, vector<512x4096xf32>
    %reduce_max3A_152 = arith.constant dense<0xFF800000> : vector<512xf32>
    %reduce_max3A_153 = vector.multi_reduction <maximumf>, %select_n3A_151, %reduce_max3A_152 [1] : vector<512x4096xf32> to vector<512xf32>
    %broadcast_in_dim3A_154 = vector.shape_cast %reduce_max3A_153 : vector<512xf32> to vector<512x1xf32>
    %eq3A_155 = vector.broadcast %broadcast_in_dim3A_154 : vector<512x1xf32> to vector<512x4096xf32>
    %eq3A_156 = arith.cmpf oeq, %select_n3A_151, %eq3A_155 : vector<512x4096xf32>
    %jit3A_157 = arith.constant 4.096000e+03 : f32
    %broadcast_in_dim3A_158 = vector.broadcast %jit3A_157 : f32 to vector<512x4096xf32>
    %select_n3A_159 = arith.select %eq3A_156, %convert_element_type3A_20, %broadcast_in_dim3A_158 : vector<512x4096xi1>, vector<512x4096xf32>
    %reduce_min3A_160 = arith.constant dense<0x7F800000> : vector<512xf32>
    %reduce_min3A_161 = vector.multi_reduction <minimumf>, %select_n3A_159, %reduce_min3A_160 [1] : vector<512x4096xf32> to vector<512xf32>
    %broadcast_in_dim3A_162 = vector.shape_cast %reduce_min3A_161 : vector<512xf32> to vector<512x1xf32>
    %eq3A_163 = vector.broadcast %broadcast_in_dim3A_162 : vector<512x1xf32> to vector<512x4096xf32>
    %eq3A_164 = arith.cmpf oeq, %convert_element_type3A_20, %eq3A_163 : vector<512x4096xf32>
    %jit3A_165 = arith.constant -3.000000e+38 : f32
    %broadcast_in_dim3A_166 = vector.broadcast %jit3A_165 : f32 to vector<512x4096xf32>
    %select_n3A_167 = arith.select %eq3A_164, %broadcast_in_dim3A_166, %select_n3A_151 : vector<512x4096xi1>, vector<512x4096xf32>
    %reduce_max3A_168 = arith.constant dense<0xFF800000> : vector<512xf32>
    %reduce_max3A_169 = vector.multi_reduction <maximumf>, %select_n3A_167, %reduce_max3A_168 [1] : vector<512x4096xf32> to vector<512xf32>
    %broadcast_in_dim3A_170 = vector.shape_cast %reduce_max3A_169 : vector<512xf32> to vector<512x1xf32>
    %eq3A_171 = vector.broadcast %broadcast_in_dim3A_170 : vector<512x1xf32> to vector<512x4096xf32>
    %eq3A_172 = arith.cmpf oeq, %select_n3A_167, %eq3A_171 : vector<512x4096xf32>
    %jit3A_173 = arith.constant 4.096000e+03 : f32
    %broadcast_in_dim3A_174 = vector.broadcast %jit3A_173 : f32 to vector<512x4096xf32>
    %select_n3A_175 = arith.select %eq3A_172, %convert_element_type3A_20, %broadcast_in_dim3A_174 : vector<512x4096xi1>, vector<512x4096xf32>
    %reduce_min3A_176 = arith.constant dense<0x7F800000> : vector<512xf32>
    %reduce_min3A_177 = vector.multi_reduction <minimumf>, %select_n3A_175, %reduce_min3A_176 [1] : vector<512x4096xf32> to vector<512xf32>
    %broadcast_in_dim3A_178 = vector.shape_cast %reduce_min3A_177 : vector<512xf32> to vector<512x1xf32>
    %eq3A_179 = vector.broadcast %broadcast_in_dim3A_178 : vector<512x1xf32> to vector<512x4096xf32>
    %eq3A_180 = arith.cmpf oeq, %convert_element_type3A_20, %eq3A_179 : vector<512x4096xf32>
    %jit3A_181 = arith.constant -3.000000e+38 : f32
    %broadcast_in_dim3A_182 = vector.broadcast %jit3A_181 : f32 to vector<512x4096xf32>
    %select_n3A_183 = arith.select %eq3A_180, %broadcast_in_dim3A_182, %select_n3A_167 : vector<512x4096xi1>, vector<512x4096xf32>
    %reduce_max3A_184 = arith.constant dense<0xFF800000> : vector<512xf32>
    %reduce_max3A_185 = vector.multi_reduction <maximumf>, %select_n3A_183, %reduce_max3A_184 [1] : vector<512x4096xf32> to vector<512xf32>
    %broadcast_in_dim3A_186 = vector.shape_cast %reduce_max3A_185 : vector<512xf32> to vector<512x1xf32>
    %eq3A_187 = vector.broadcast %broadcast_in_dim3A_186 : vector<512x1xf32> to vector<512x4096xf32>
    %eq3A_188 = arith.cmpf oeq, %select_n3A_183, %eq3A_187 : vector<512x4096xf32>
    %jit3A_189 = arith.constant 4.096000e+03 : f32
    %broadcast_in_dim3A_190 = vector.broadcast %jit3A_189 : f32 to vector<512x4096xf32>
    %select_n3A_191 = arith.select %eq3A_188, %convert_element_type3A_20, %broadcast_in_dim3A_190 : vector<512x4096xi1>, vector<512x4096xf32>
    %reduce_min3A_192 = arith.constant dense<0x7F800000> : vector<512xf32>
    %reduce_min3A_193 = vector.multi_reduction <minimumf>, %select_n3A_191, %reduce_min3A_192 [1] : vector<512x4096xf32> to vector<512xf32>
    %broadcast_in_dim3A_194 = vector.shape_cast %reduce_min3A_193 : vector<512xf32> to vector<512x1xf32>
    %eq3A_195 = vector.broadcast %broadcast_in_dim3A_194 : vector<512x1xf32> to vector<512x4096xf32>
    %eq3A_196 = arith.cmpf oeq, %convert_element_type3A_20, %eq3A_195 : vector<512x4096xf32>
    %jit3A_197 = arith.constant -3.000000e+38 : f32
    %broadcast_in_dim3A_198 = vector.broadcast %jit3A_197 : f32 to vector<512x4096xf32>
    %select_n3A_199 = arith.select %eq3A_196, %broadcast_in_dim3A_198, %select_n3A_183 : vector<512x4096xi1>, vector<512x4096xf32>
    %reduce_max3A_200 = arith.constant dense<0xFF800000> : vector<512xf32>
    %reduce_max3A_201 = vector.multi_reduction <maximumf>, %select_n3A_199, %reduce_max3A_200 [1] : vector<512x4096xf32> to vector<512xf32>
    %broadcast_in_dim3A_202 = vector.shape_cast %reduce_max3A_201 : vector<512xf32> to vector<512x1xf32>
    %eq3A_203 = vector.broadcast %broadcast_in_dim3A_202 : vector<512x1xf32> to vector<512x4096xf32>
    %eq3A_204 = arith.cmpf oeq, %select_n3A_199, %eq3A_203 : vector<512x4096xf32>
    %jit3A_205 = arith.constant 4.096000e+03 : f32
    %broadcast_in_dim3A_206 = vector.broadcast %jit3A_205 : f32 to vector<512x4096xf32>
    %select_n3A_207 = arith.select %eq3A_204, %convert_element_type3A_20, %broadcast_in_dim3A_206 : vector<512x4096xi1>, vector<512x4096xf32>
    %reduce_min3A_208 = arith.constant dense<0x7F800000> : vector<512xf32>
    %reduce_min3A_209 = vector.multi_reduction <minimumf>, %select_n3A_207, %reduce_min3A_208 [1] : vector<512x4096xf32> to vector<512xf32>
    %broadcast_in_dim3A_210 = vector.shape_cast %reduce_min3A_209 : vector<512xf32> to vector<512x1xf32>
    %eq3A_211 = vector.broadcast %broadcast_in_dim3A_210 : vector<512x1xf32> to vector<512x4096xf32>
    %eq3A_212 = arith.cmpf oeq, %convert_element_type3A_20, %eq3A_211 : vector<512x4096xf32>
    %jit3A_213 = arith.constant -3.000000e+38 : f32
    %broadcast_in_dim3A_214 = vector.broadcast %jit3A_213 : f32 to vector<512x4096xf32>
    %select_n3A_215 = arith.select %eq3A_212, %broadcast_in_dim3A_214, %select_n3A_199 : vector<512x4096xi1>, vector<512x4096xf32>
    %reduce_max3A_216 = arith.constant dense<0xFF800000> : vector<512xf32>
    %reduce_max3A_217 = vector.multi_reduction <maximumf>, %select_n3A_215, %reduce_max3A_216 [1] : vector<512x4096xf32> to vector<512xf32>
    %broadcast_in_dim3A_218 = vector.shape_cast %reduce_max3A_217 : vector<512xf32> to vector<512x1xf32>
    %eq3A_219 = vector.broadcast %broadcast_in_dim3A_218 : vector<512x1xf32> to vector<512x4096xf32>
    %eq3A_220 = arith.cmpf oeq, %select_n3A_215, %eq3A_219 : vector<512x4096xf32>
    %jit3A_221 = arith.constant 4.096000e+03 : f32
    %broadcast_in_dim3A_222 = vector.broadcast %jit3A_221 : f32 to vector<512x4096xf32>
    %select_n3A_223 = arith.select %eq3A_220, %convert_element_type3A_20, %broadcast_in_dim3A_222 : vector<512x4096xi1>, vector<512x4096xf32>
    %reduce_min3A_224 = arith.constant dense<0x7F800000> : vector<512xf32>
    %reduce_min3A_225 = vector.multi_reduction <minimumf>, %select_n3A_223, %reduce_min3A_224 [1] : vector<512x4096xf32> to vector<512xf32>
    %broadcast_in_dim3A_226 = vector.shape_cast %reduce_min3A_225 : vector<512xf32> to vector<512x1xf32>
    %eq3A_227 = vector.broadcast %broadcast_in_dim3A_226 : vector<512x1xf32> to vector<512x4096xf32>
    %eq3A_228 = arith.cmpf oeq, %convert_element_type3A_20, %eq3A_227 : vector<512x4096xf32>
    %jit3A_229 = arith.constant -3.000000e+38 : f32
    %broadcast_in_dim3A_230 = vector.broadcast %jit3A_229 : f32 to vector<512x4096xf32>
    %select_n3A_231 = arith.select %eq3A_228, %broadcast_in_dim3A_230, %select_n3A_215 : vector<512x4096xi1>, vector<512x4096xf32>
    %reduce_max3A_232 = arith.constant dense<0xFF800000> : vector<512xf32>
    %reduce_max3A_233 = vector.multi_reduction <maximumf>, %select_n3A_231, %reduce_max3A_232 [1] : vector<512x4096xf32> to vector<512xf32>
    %broadcast_in_dim3A_234 = vector.shape_cast %reduce_max3A_233 : vector<512xf32> to vector<512x1xf32>
    %eq3A_235 = vector.broadcast %broadcast_in_dim3A_234 : vector<512x1xf32> to vector<512x4096xf32>
    %eq3A_236 = arith.cmpf oeq, %select_n3A_231, %eq3A_235 : vector<512x4096xf32>
    %jit3A_237 = arith.constant 4.096000e+03 : f32
    %broadcast_in_dim3A_238 = vector.broadcast %jit3A_237 : f32 to vector<512x4096xf32>
    %select_n3A_239 = arith.select %eq3A_236, %convert_element_type3A_20, %broadcast_in_dim3A_238 : vector<512x4096xi1>, vector<512x4096xf32>
    %reduce_min3A_240 = arith.constant dense<0x7F800000> : vector<512xf32>
    %reduce_min3A_241 = vector.multi_reduction <minimumf>, %select_n3A_239, %reduce_min3A_240 [1] : vector<512x4096xf32> to vector<512xf32>
    %broadcast_in_dim3A_242 = vector.shape_cast %reduce_min3A_241 : vector<512xf32> to vector<512x1xf32>
    %eq3A_243 = vector.broadcast %broadcast_in_dim3A_242 : vector<512x1xf32> to vector<512x4096xf32>
    %eq3A_244 = arith.cmpf oeq, %convert_element_type3A_20, %eq3A_243 : vector<512x4096xf32>
    %jit3A_245 = arith.constant -3.000000e+38 : f32
    %broadcast_in_dim3A_246 = vector.broadcast %jit3A_245 : f32 to vector<512x4096xf32>
    %select_n3A_247 = arith.select %eq3A_244, %broadcast_in_dim3A_246, %select_n3A_231 : vector<512x4096xi1>, vector<512x4096xf32>
    %reduce_max3A_248 = arith.constant dense<0xFF800000> : vector<512xf32>
    %reduce_max3A_249 = vector.multi_reduction <maximumf>, %select_n3A_247, %reduce_max3A_248 [1] : vector<512x4096xf32> to vector<512xf32>
    %broadcast_in_dim3A_250 = vector.shape_cast %reduce_max3A_249 : vector<512xf32> to vector<512x1xf32>
    %eq3A_251 = vector.broadcast %broadcast_in_dim3A_250 : vector<512x1xf32> to vector<512x4096xf32>
    %eq3A_252 = arith.cmpf oeq, %select_n3A_247, %eq3A_251 : vector<512x4096xf32>
    %jit3A_253 = arith.constant 4.096000e+03 : f32
    %broadcast_in_dim3A_254 = vector.broadcast %jit3A_253 : f32 to vector<512x4096xf32>
    %select_n3A_255 = arith.select %eq3A_252, %convert_element_type3A_20, %broadcast_in_dim3A_254 : vector<512x4096xi1>, vector<512x4096xf32>
    %reduce_min3A_256 = arith.constant dense<0x7F800000> : vector<512xf32>
    %reduce_min3A_257 = vector.multi_reduction <minimumf>, %select_n3A_255, %reduce_min3A_256 [1] : vector<512x4096xf32> to vector<512xf32>
    %broadcast_in_dim3A_258 = vector.shape_cast %reduce_min3A_257 : vector<512xf32> to vector<512x1xf32>
    %concatenate3A = tpu.concatenate %convert_element_type3A_23, %broadcast_in_dim3A_34, %broadcast_in_dim3A_50, %broadcast_in_dim3A_66, %broadcast_in_dim3A_82, %broadcast_in_dim3A_98, %broadcast_in_dim3A_114, %broadcast_in_dim3A_130, %broadcast_in_dim3A_146, %broadcast_in_dim3A_162, %broadcast_in_dim3A_178, %broadcast_in_dim3A_194, %broadcast_in_dim3A_210, %broadcast_in_dim3A_226, %broadcast_in_dim3A_242, %broadcast_in_dim3A_258 in 1 : vector<512x1xf32>, vector<512x1xf32>, vector<512x1xf32>, vector<512x1xf32>, vector<512x1xf32>, vector<512x1xf32>, vector<512x1xf32>, vector<512x1xf32>, vector<512x1xf32>, vector<512x1xf32>, vector<512x1xf32>, vector<512x1xf32>, vector<512x1xf32>, vector<512x1xf32>, vector<512x1xf32>, vector<512x1xf32> -> vector<512x16xf32>
    %convert_element_type3A_259 = arith.fptosi %concatenate3A : vector<512x16xf32> to vector<512x16xi32>
    %mul3A_260 = arith.constant 4096 : i32
    %mul3A_261 = arith.muli %arg0, %mul3A_260 : i32
    %add3A_262 = vector.broadcast %mul3A_261 : i32 to vector<512x16xi32>
    %add3A_263 = arith.addi %convert_element_type3A_259, %add3A_262 : vector<512x16xi32>
    %swap3A = arith.constant 0 : index
    %swap3A_264 = arith.constant 0 : index
    %swap3A_265 = arith.constant 0 : index
    %swap3A_266 = vector.load %arg3[%swap3A, %swap3A_264, %swap3A_265] : memref<1x512x16xi32, #tpu.memory_space<vmem>>, vector<1x512x16xi32>
    %swap3A_267 = vector.shape_cast %swap3A_266 : vector<1x512x16xi32> to vector<512x16xi32>
    %swap3A_268 = vector.shape_cast %add3A_263 : vector<512x16xi32> to vector<1x512x16xi32>
    tpu.vector_store %arg3[%swap3A, %swap3A_264, %swap3A_265], %swap3A_268 {strides = array<i32>} : memref<1x512x16xi32, #tpu.memory_space<vmem>>, vector<1x512x16xi32>,
    %transpose3A = tpu.transpose %get3A_9, [1, 0] : vector<64x512xf32> -> vector<512x64xf32>
    %swap3A_269 = arith.constant 0 : index
    %swap3A_270 = arith.constant 0 : index
    %swap3A_271 = arith.constant 0 : index
    %swap3A_272 = vector.load %arg4[%swap3A_269, %swap3A_270, %swap3A_271] : memref<1x512x64xf32, #tpu.memory_space<vmem>>, vector<1x512x64xf32>
    %swap3A_273 = vector.shape_cast %swap3A_272 : vector<1x512x64xf32> to vector<512x64xf32>
    %swap3A_274 = vector.shape_cast %transpose3A : vector<512x64xf32> to vector<1x512x64xf32>
    tpu.vector_store %arg4[%swap3A_269, %swap3A_270, %swap3A_271], %swap3A_274 {strides = array<i32>} : memref<1x512x64xf32, #tpu.memory_space<vmem>>, vector<1x512x64xf32>,
    return
  }
  func.func @transform_0(%arg0: i32, %arg1: i32) -> (i32, i32, i32) {
    %c0_i32 = arith.constant 0 : i32
    %c0_i32_0 = arith.constant 0 : i32
    %c0_i32_1 = arith.constant 0 : i32
    return %arg0, %c0_i32, %c0_i32_0 : i32, i32, i32
  }
  func.func @transform_1(%arg0: i32, %arg1: i32) -> (i32, i32, i32) {
    %c0_i32 = arith.constant 0 : i32
    %c0_i32_0 = arith.constant 0 : i32
    return %arg0, %arg1, %c0_i32 : i32, i32, i32
  }
  func.func @transform_2(%arg0: i32, %arg1: i32) -> (i32, i32, i32) {
    %c0_i32 = arith.constant 0 : i32
    %c0_i32_0 = arith.constant 0 : i32
    return %arg0, %arg1, %c0_i32 : i32, i32, i32
  }
}

module attributes {stable_mosaic.version = 14 : i64} {
  func.func @_mlp_body(%arg0: i32, %arg1: i32, %arg2: memref<1x512x16x64xf32, #tpu.memory_space<vmem>>, %arg3: memref<1x512x64xf32, #tpu.memory_space<vmem>>, %arg4: memref<64x128xf32, #tpu.memory_space<vmem>>, %arg5: memref<1x64xf32, #tpu.memory_space<vmem>>, %arg6: memref<64x64xf32, #tpu.memory_space<vmem>>, %arg7: memref<1x64xf32, #tpu.memory_space<vmem>>, %arg8: memref<1x64x512xf32, #tpu.memory_space<vmem>>) attributes {dimension_semantics = [#tpu.dimension_semantics<arbitrary>, #tpu.dimension_semantics<arbitrary>], iteration_bounds = array<i64: 4, 8>, scalar_prefetch = 0 : i64, scratch_operands = 0 : i64, tpu.core_type = #tpu.core_type<tc>, window_params = [{transform_indices = @transform_0, window_bounds = array<i64: 1, 512, 16, 64>}, {transform_indices = @transform_1, window_bounds = array<i64: 1, 512, 64>}, {pipeline_mode = #tpu.pipeline_mode<synchronous>, transform_indices = @transform_2, window_bounds = array<i64: 64, 128>}, {pipeline_mode = #tpu.pipeline_mode<synchronous>, transform_indices = @transform_3, window_bounds = array<i64: 1, 64>}, {pipeline_mode = #tpu.pipeline_mode<synchronous>, transform_indices = @transform_4, window_bounds = array<i64: 64, 64>}, {pipeline_mode = #tpu.pipeline_mode<synchronous>, transform_indices = @transform_5, window_bounds = array<i64: 1, 64>}, {transform_indices = @transform_6, window_bounds = array<i64: 1, 64, 512>}]} {
    %get3A = arith.constant 0 : index
    %get3A_0 = arith.constant 0 : index
    %get3A_1 = arith.constant 0 : index
    %get3A_2 = arith.constant 0 : index
    %get3A_3 = vector.load %arg2[%get3A, %get3A_0, %get3A_1, %get3A_2] : memref<1x512x16x64xf32, #tpu.memory_space<vmem>>, vector<1x512x16x64xf32>
    %get3A_4 = vector.shape_cast %get3A_3 : vector<1x512x16x64xf32> to vector<512x16x64xf32>
    %get3A_5 = arith.constant 0 : index
    %get3A_6 = arith.constant 0 : index
    %get3A_7 = arith.constant 0 : index
    %get3A_8 = vector.load %arg3[%get3A_5, %get3A_6, %get3A_7] : memref<1x512x64xf32, #tpu.memory_space<vmem>>, vector<1x512x64xf32>
    %get3A_9 = vector.shape_cast %get3A_8 : vector<1x512x64xf32> to vector<512x64xf32>
    %broadcast_in_dim3A = vector.shape_cast %get3A_9 : vector<512x64xf32> to vector<512x1x64xf32>
    %broadcast_in_dim3A_10 = vector.shape_cast %broadcast_in_dim3A : vector<512x1x64xf32> to vector<512x1x64xf32>
    %broadcast_in_dim3A_11 = vector.broadcast %broadcast_in_dim3A_10 : vector<512x1x64xf32> to vector<512x16x64xf32>
    %sub3A = arith.subf %get3A_4, %broadcast_in_dim3A_11 : vector<512x16x64xf32>
    %concatenate3A = tpu.concatenate %sub3A, %broadcast_in_dim3A_11 in 2 : vector<512x16x64xf32>, vector<512x16x64xf32> -> vector<512x16x128xf32>
    %reshape3A = vector.shape_cast %concatenate3A : vector<512x16x128xf32> to vector<8192x128xf32>
    %convert_element_type3A = arith.truncf %reshape3A : vector<8192x128xf32> to vector<8192x128xbf16>
    %get3A_12 = arith.constant 0 : index
    %get3A_13 = arith.constant 0 : index
    %get3A_14 = vector.load %arg4[%get3A_12, %get3A_13] : memref<64x128xf32, #tpu.memory_space<vmem>>, vector<64x128xf32>
    %convert_element_type3A_15 = arith.truncf %get3A_14 : vector<64x128xf32> to vector<64x128xbf16>
    %dot_general3A = arith.constant dense<0.000000e+00> : vector<8192x64xf32>
    %dot_general3A_16 = tpu.matmul %convert_element_type3A, %convert_element_type3A_15, %dot_general3A {dimension_numbers = #tpu.dot_dimension_numbers<[1], [1], [0], [0], [0, 0, 1, 0], [], []>, transpose_lhs_hint = false} : vector<8192x128xbf16>, vector<64x128xbf16>, vector<8192x64xf32> -> vector<8192x64xf32>
    %get3A_17 = arith.constant 0 : index
    %get3A_18 = arith.constant 0 : index
    %get3A_19 = vector.load %arg5[%get3A_17, %get3A_18] : memref<1x64xf32, #tpu.memory_space<vmem>>, vector<1x64xf32>
    %add3A = vector.broadcast %get3A_19 : vector<1x64xf32> to vector<8192x64xf32>
    %add3A_20 = arith.addf %dot_general3A_16, %add3A : vector<8192x64xf32>
    %max3A = arith.constant 0.000000e+00 : f32
    %max3A_21 = vector.broadcast %max3A : f32 to vector<8192x64xf32>
    %max3A_22 = arith.maximumf %add3A_20, %max3A_21 : vector<8192x64xf32>
    %convert_element_type3A_23 = arith.truncf %max3A_22 : vector<8192x64xf32> to vector<8192x64xbf16>
    %get3A_24 = arith.constant 0 : index
    %get3A_25 = arith.constant 0 : index
    %get3A_26 = vector.load %arg6[%get3A_24, %get3A_25] : memref<64x64xf32, #tpu.memory_space<vmem>>, vector<64x64xf32>
    %convert_element_type3A_27 = arith.truncf %get3A_26 : vector<64x64xf32> to vector<64x64xbf16>
    %dot_general3A_28 = arith.constant dense<0.000000e+00> : vector<8192x64xf32>
    %dot_general3A_29 = tpu.matmul %convert_element_type3A_23, %convert_element_type3A_27, %dot_general3A_28 {dimension_numbers = #tpu.dot_dimension_numbers<[1], [1], [0], [0], [0, 0, 1, 0], [], []>, transpose_lhs_hint = false} : vector<8192x64xbf16>, vector<64x64xbf16>, vector<8192x64xf32> -> vector<8192x64xf32>
    %get3A_30 = arith.constant 0 : index
    %get3A_31 = arith.constant 0 : index
    %get3A_32 = vector.load %arg7[%get3A_30, %get3A_31] : memref<1x64xf32, #tpu.memory_space<vmem>>, vector<1x64xf32>
    %add3A_33 = vector.broadcast %get3A_32 : vector<1x64xf32> to vector<8192x64xf32>
    %add3A_34 = arith.addf %dot_general3A_29, %add3A_33 : vector<8192x64xf32>
    %reshape3A_35 = vector.shape_cast %add3A_34 : vector<8192x64xf32> to vector<512x16x64xf32>
    %reduce_max3A = arith.constant dense<0xFF800000> : vector<512x64xf32>
    %reduce_max3A_36 = vector.multi_reduction <maximumf>, %reshape3A_35, %reduce_max3A [1] : vector<512x16x64xf32> to vector<512x64xf32>
    %transpose3A = tpu.transpose %reduce_max3A_36, [1, 0] : vector<512x64xf32> -> vector<64x512xf32>
    %swap3A = arith.constant 0 : index
    %swap3A_37 = arith.constant 0 : index
    %swap3A_38 = arith.constant 0 : index
    %swap3A_39 = vector.load %arg8[%swap3A, %swap3A_37, %swap3A_38] : memref<1x64x512xf32, #tpu.memory_space<vmem>>, vector<1x64x512xf32>
    %swap3A_40 = vector.shape_cast %swap3A_39 : vector<1x64x512xf32> to vector<64x512xf32>
    %swap3A_41 = vector.shape_cast %transpose3A : vector<64x512xf32> to vector<1x64x512xf32>
    tpu.vector_store %arg8[%swap3A, %swap3A_37, %swap3A_38], %swap3A_41 {strides = array<i32>} : memref<1x64x512xf32, #tpu.memory_space<vmem>>, vector<1x64x512xf32>,
    return
  }
  func.func @transform_0(%arg0: i32, %arg1: i32) -> (i32, i32, i32, i32) {
    %c0_i32 = arith.constant 0 : i32
    %c0_i32_0 = arith.constant 0 : i32
    %c0_i32_1 = arith.constant 0 : i32
    return %arg0, %arg1, %c0_i32, %c0_i32_0 : i32, i32, i32, i32
  }
  func.func @transform_1(%arg0: i32, %arg1: i32) -> (i32, i32, i32) {
    %c0_i32 = arith.constant 0 : i32
    %c0_i32_0 = arith.constant 0 : i32
    return %arg0, %arg1, %c0_i32 : i32, i32, i32
  }
  func.func @transform_2(%arg0: i32, %arg1: i32) -> (i32, i32) {
    %c0_i32 = arith.constant 0 : i32
    %c0_i32_0 = arith.constant 0 : i32
    %c0_i32_1 = arith.constant 0 : i32
    return %c0_i32, %c0_i32_0 : i32, i32
  }
  func.func @transform_3(%arg0: i32, %arg1: i32) -> (i32, i32) {
    %c0_i32 = arith.constant 0 : i32
    %c0_i32_0 = arith.constant 0 : i32
    %c0_i32_1 = arith.constant 0 : i32
    return %c0_i32, %c0_i32_0 : i32, i32
  }
  func.func @transform_4(%arg0: i32, %arg1: i32) -> (i32, i32) {
    %c0_i32 = arith.constant 0 : i32
    %c0_i32_0 = arith.constant 0 : i32
    %c0_i32_1 = arith.constant 0 : i32
    return %c0_i32, %c0_i32_0 : i32, i32
  }
  func.func @transform_5(%arg0: i32, %arg1: i32) -> (i32, i32) {
    %c0_i32 = arith.constant 0 : i32
    %c0_i32_0 = arith.constant 0 : i32
    %c0_i32_1 = arith.constant 0 : i32
    return %c0_i32, %c0_i32_0 : i32, i32
  }
  func.func @transform_6(%arg0: i32, %arg1: i32) -> (i32, i32, i32) {
    %c0_i32 = arith.constant 0 : i32
    %c0_i32_0 = arith.constant 0 : i32
    return %arg0, %c0_i32, %arg1 : i32, i32, i32
  }
}

</mosaic_0001>

<sc_bundles>
// kernel: kernel.5.cloned.1.call-start
scs
__scs_entry_jumppad:
0x0: {  	(pc) =	sbr.rel $0x88, $3  }
0x1: {  	(tag) =	ssettag $0x0;
	lr =	simm.s32 $0x1  }
0x2: {  	[smem:$0x3F9C] =	sst lr;
	_ =	strace $0xD0000000  }
0x3: {  	_ = 	snop  }
0x4: {  	_ = 	snop  }
0x5: {  	_ = 	snop  }
0x6: {  	_ = 	snop  }
0x7: {  	_ = 	snop  }
__scs_overlays_trampoline_lowered:
0x8: {  	[smem:$0x3FAB] =	sst s0  }
0x9: {  	[smem:$0x3FAC] =	sst s1  }
0xa: {  	[smem:$0x3FAD] =	sst s2  }
0xb: {  	[smem:$0x3FAE] =	sst s3  }
0xc: {  	[smem:$0x3FAF] =	sst s4  }
0xd: {  	[smem:$0x3FB0] =	sst s5  }
0xe: {  	[smem:$0x3FB1] =	sst s6  }
0xf: {  	[smem:$0x3FB2] =	sst s7  }
0x10: {  	[smem:$0x3FB3] =	sst s8  }
0x11: {  	[smem:$0x3FB4] =	sst s9;
	s0 =	simm.s32 @!p0 $0x0  }
0x12: {  	s1 =	sld [smem:$0x3F9A];
	s0 =	simm.s32 @p0 $0x1  }
0x13: {  	[smem:$0x3FB5] =	sst s0;
	s0 =	simm.s32 @!p1 $0x0  }
0x14: {  	s2 =	sld [smem:$0x3F99];
	s0 =	simm.s32 @p1 $0x1  }
0x15: {  	[smem:$0x3FB6] =	sst s0;
	s0 =	simm.s32 @!p2 $0x0  }
0x16: {  	s3 =	sld [smem:$0x3FDB];
	s0 =	simm.s32 @p2 $0x1  }
0x17: {  	s4 =	simm.s32 $0x1BF5;
	[smem:$0x3FB8] =	sst s0  }
0x18: {  	s0 =	sld [smem:$0x3F9B];
	_ =	swait.ge [sflag:s4], $0x0  }
0x19: {  	s7 =	sld [smem:$0x3F9C]  }
0x1a: {  	s8 =	sadd.s32 $0xFFFFE003, lr  }
0x1b: {  	s9 =	sadd.s32 $0xFFFFFEF7, lr;
	s5 =	simm.s32 $0xFFFFFFFF;
	p2 =	slt.u32 s8, $0xFFFFF086  }
0x1c: {  	p1 =	slt.u32 s9, $0xF7A;
	s5 =	simm.s32 @!p2 $0x0  }
0x1d: {  	s5 =	simm.s32 @p1 $0x1;
	p0 =	seq.s32 s7, s2  }
0x1e: {  	s7 =	smul.u32 @!p0 $0xF7A, s2;
	p2 =	seq.s32 @!p0 s5, $0x0  }
0x1f: {  	s9 =	smul.u32 $0xF7A, s1;
	s8 =	simm.s32 @!p0 $0x1BF5;
	p2 =	por !p2, p0  }
0x20: {  	[sflag:s8] =	ssyncset.s32 @!p0 $0xFFFFF086;
	s6 =	sadd.s32 @!p0 s3, s7;
	s7 =	simm.s32 @!p0 $0x108  }
0x21: {  	s3 =	sadd.s32 s3, s9;
	s6 =	sadd.s32 @!p0 $0x88, s6;
	s7 =	simm.s32 @p2 $0x1082  }
0x22: {  	[simem:s7], [sflag:s8] =	dma.local @!p0 [hbm:s6], $0xF7A  }
0x23: {  	s9 =	sor.u32 $0xD0000000, s2;
	s6 =	simm.s32 $0x108;
	_ =	swait.ge @!p0 [sflag:s8], $0x0  }
0x24: {  	s3 =	sadd.s32 $0x88, s3;
	s6 =	simm.s32 @!p1 $0x1082;
	[sflag:s4] =	ssyncset.s32 $0xFFFFF086  }
0x25: {  	[simem:s6], [sflag:s4] =	dma.local [hbm:s3], $0xF7A  }
0x26: {  	[smem:$0x3F9C] =	sst s1;
	(tag) =	ssettag s2;
	_ =	strace s9  }
0x27: {  	s1 =	sld [smem:$0x3FAC]  }
0x28: {  	s2 =	sld [smem:$0x3FAD]  }
0x29: {  	s4 =	sld [smem:$0x3FAF]  }
0x2a: {  	p0 =	seq.s32 s5, $0x0;
	s5 =	sld [smem:$0x3FB0]  }
0x2b: {  	s6 =	sld [smem:$0x3FB1]  }
0x2c: {  	s7 =	sld [smem:$0x3FB2]  }
0x2d: {  	s3 =	simm.s32 $0x108;
	s8 =	sld [smem:$0x3FB3]  }
0x2e: {  	s3 =	simm.s32 @!p0 $0x1082;
	s9 =	sld [smem:$0x3FB4]  }
0x2f: {  	lr =	sadd.s32 s0, s3;
	s0 =	sld [smem:$0x3FAB]  }
0x30: {  	s3 =	sld [smem:$0x3FAE]  }
0x31: {  	[smem:$0x3FB7] =	sst s10  }
0x32: {  	s10 =	sld [smem:$0x3FB5];
	_ =	sdelay $0x3  }
0x33: {  	p0 =	seq.s32 s10, $0x1;
	s10 =	sld [smem:$0x3FB7];
	_ =	sdelay $0x3  }
0x34: {  	[smem:$0x3FB7] =	sst s10  }
0x35: {  	s10 =	sld [smem:$0x3FB6];
	_ =	sdelay $0x3  }
0x36: {  	p1 =	seq.s32 s10, $0x1;
	s10 =	sld [smem:$0x3FB7];
	_ =	sdelay $0x3  }
0x37: {  	[smem:$0x3FB7] =	sst s10  }
0x38: {  	s10 =	sld [smem:$0x3FB8]  }
0x39: {  	_ = 	snop;
	(pc) =	sbr.ind lr, $3  }
0x3a: {  	_ = 	snop  }
0x3b: {  	_ = 	snop  }
0x3c: {  	p2 =	seq.s32 s10, $0x1;
	s10 =	sld [smem:$0x3FB7]  }
0x3d: {  	_ =	shalt  }
0x3e: {  	_ =	shalt  }
0x3f: {  	_ =	shalt  }
0x40: {  	_ =	shalt  }
0x41: {  	_ =	shalt  }
0x42: {  	_ =	shalt  }
0x43: {  	_ =	shalt  }
0x44: {  	_ =	shalt  }
0x45: {  	_ =	shalt  }
0x46: {  	_ =	shalt  }
0x47: {  	_ =	shalt  }
0x48: {  	_ =	shalt  }
0x49: {  	_ =	shalt  }
0x4a: {  	_ =	shalt  }
0x4b: {  	_ =	shalt  }
0x4c: {  	_ =	shalt  }
0x4d: {  	_ =	shalt  }
0x4e: {  	_ =	shalt  }
0x4f: {  	_ =	shalt  }
0x50: {  	_ =	shalt  }
0x51: {  	_ =	shalt  }
0x52: {  	_ =	shalt  }
0x53: {  	_ =	shalt  }
0x54: {  	_ =	shalt  }
0x55: {  	_ =	shalt  }
0x56: {  	_ =	shalt  }
0x57: {  	_ =	shalt  }
0x58: {  	_ =	shalt  }
0x59: {  	_ =	shalt  }
0x5a: {  	_ =	shalt  }
0x5b: {  	_ =	shalt  }
0x5c: {  	_ =	shalt  }
0x5d: {  	_ =	shalt  }
0x5e: {  	_ =	shalt  }
0x5f: {  	_ =	shalt  }
0x60: {  	_ =	shalt  }
0x61: {  	_ =	shalt  }
0x62: {  	_ =	shalt  }
0x63: {  	_ =	shalt  }
0x64: {  	_ =	shalt  }
0x65: {  	_ =	shalt  }
0x66: {  	_ =	shalt  }
0x67: {  	_ =	shalt  }
0x68: {  	_ =	shalt  }
0x69: {  	_ =	shalt  }
0x6a: {  	_ =	shalt  }
0x6b: {  	_ =	shalt  }
0x6c: {  	_ =	shalt  }
0x6d: {  	_ =	shalt  }
0x6e: {  	_ =	shalt  }
0x6f: {  	_ =	shalt  }
0x70: {  	_ =	shalt  }
0x71: {  	_ =	shalt  }
0x72: {  	_ =	shalt  }
0x73: {  	_ =	shalt  }
0x74: {  	_ =	shalt  }
0x75: {  	_ =	shalt  }
0x76: {  	_ =	shalt  }
0x77: {  	_ =	shalt  }
0x78: {  	_ =	shalt  }
0x79: {  	_ =	shalt  }
0x7a: {  	_ =	shalt  }
0x7b: {  	_ =	shalt  }
0x7c: {  	_ =	shalt  }
0x7d: {  	_ =	shalt  }
0x7e: {  	_ =	shalt  }
0x7f: {  	_ =	shalt  }
0x80: {  	_ =	shalt  }
0x81: {  	_ =	shalt  }
0x82: {  	_ =	shalt  }
0x83: {  	_ =	shalt  }
0x84: {  	_ =	shalt  }
0x85: {  	_ =	shalt  }
0x86: {  	_ =	shalt  }
0x87: {  	_ =	shalt  }
.Lfunc_end0:
.L_simem_size_0:
called_computation_lowered:
.L_overlay_start_0:
0x88: {  	s2 =	sld [smem:$0x3FD9]  }
0x89: {  	s3 =	sld [smem:$0x3FFE];
	_ =	sdelay $0x1  }
0x8a: {  	s1 =	srdreg.scid  }
0x8b: {  	s0 =	sand.u32 $0x1, s1  }
0x8c: {  	s17 =	sshll.u32 s0, $0xA;
	s2 =	sadd.s32 s3, s2  }
0x8d: {  	s2 =	sadd.s32 s2, s17  }
0x8e: {  	[smem:$0x3FC3] =	sst s2  }
0x8f: {  	_ = 	snop  }
0x90: {  	s2 =	sld [smem:$0x3FD0];
	(tm) =	ssettm $0x1  }
0x91: {  	s18 =	sld [smem:$0x3FFB];
	_ =	sdelay $0x3  }
0x92: {  	_ =	strace s18  }
0x93: {  	s3 =	sld [smem:$0x3FFC];
	_ =	sdelay $0x3  }
0x94: {  	_ =	strace s3  }
0x95: {  	s3 =	sld [smem:$0x3FFD];
	_ =	sdelay $0x3  }
0x96: {  	_ =	strace s3  }
0x97: {  	_ =	strace $0x8FFFFFFF  }
0x98: {  	s19 =	sld [smem:$0x3FDB];
	_ =	sdelay $0x1  }
0x99: {  	s4 =	simm.s32 $_scs_section_size  }
0x9a: {  	s5 =	simm.s32 $_size__tile_overlayer_lowered;
	s6 =	simm.s32 $_tile_overlayer_lowered  }
0x9b: {  	s22 =	simm.s32 $0x1BFF;
	s21 =	sshll.u32 s6, $0x1;
	s3 =	sadd.s32 s4, s19  }
0x9c: {  	s7 =	simm.s32 $0x0;
	s20 =	sshll.u32 s5, $0x1;
	s5 =	sadd.s32 s21, s3  }
0x9d: {  	[timem:s7], [sflag:s22] =	dma.local [hbm:s5], s20  }
0x9e: {  	_ =	swait.ge [sflag:s22], s20  }
0x9f: {  	s4 =	ssub.s32 $0x0, s20;
	[sflag:s22] =	ssyncset.done $0x0  }
0xa0: {  	[sflag:s22] =	ssyncadd.s32 s4;
	_ =	sdelay $0x1  }
0xa1: {  	s23 =	simm.s32 $0x1B8B  }
0xa2: {  	_ =	swait.ge [sflag:s23], $0x1  }
0xa3: {  	[sflag:s23] =	ssyncset.done $0x0  }
0xa4: {  	s25 =	simm.s32 $0x1B8E;
	s24 =	sld [smem:$0x3FFE];
	[sflag:s23] =	ssyncadd.s32 $0xFFFFFFFF  }
0xa5: {  	s26 =	simm.s32 $execute0_lowered;
	[smem:$0x3FD2] =	sst s25  }
0xa6: {  	s5 =	sshll.u32 s26, $0x1;
	_ =	strace $0x80000046;
	[dreg:$0x1] =	wrdreg $0xFFFFFFFF  }
0xa7: {  	s28 =	simm.s32 $_size_execute0_lowered;
	s3 =	sadd.s32 s3, s5;
	[dreg:$0x0] =	wrdreg $0x0  }
0xa8: {  	s5 =	sshll.u32 s28, $0x1;
	[dreg:$0x2] =	wrdreg s3  }
0xa9: {  	[dreg:$0x3] =	wrdreg s5  }
0xaa: {  	[dreg:$0x4] =	wrdreg $0xC0  }
0xab: {  	_ =	task [dreg:s7], $0x5FFFF  }
0xac: {  	[dreg:$0x1] =	wrdreg $0xFFFFFFFF  }
0xad: {  	[dreg:$0x0] =	wrdreg $0x60  }
0xae: {  	[dreg:$0x2] =	wrdreg s2  }
0xaf: {  	[dreg:$0x3] =	wrdreg s24  }
0xb0: {  	[dreg:$0x4] =	wrdreg $0x9  }
0xb1: {  	_ =	task.clear_ibuf [dreg:s7], $0x5FFFF;
	_ =	strace $0x90000046  }
0xb2: {  	s29 =	simm.s32 $0x9;
	_ =	strace $0x80000048  }
0xb3: {  	_ =	swait.ge [sflag:s29], $0x1  }
0xb4: {  	[sflag:s29] =	ssyncadd.s32 $0xFFFFFFFF  }
0xb5: {  	_ =	strace $0x90000048  }
0xb6: {  	_ =	sfence  }
0xb7: {  	s30 =	sld [smem:$0x0];
	_ =	sdelay $0x2  }
0xb8: {  	s31 =	sshll.u32 s1, $0xD;
	s1 =	sshrl.u32 s1, $0x2  }
0xb9: {  	s3 =	sand.u32 $0x4000, s31;
	s1 =	sadd.s32 s1, s30  }
0xba: {  	s0 =	sor.u32 s3, s0;
	s1 =	sshll.u32 s1, $0x11  }
0xbb: {  	s0 =	sor.u32 s1, s0  }
0xbc: {  	s0 =	sadd.s32 $0x8F2B, s0  }
0xbd: {  	[sflag:s0] =	ssyncadd.remote.s32 $0x1  }
0xbe: {  	_ =	sfence.sel $0xFFFF  }
0xbf: {  	[dreg:$0x0] =	wrdreg $0xFFFFFFFF;
	(pc) =	sbr.abs _section_cstart, $3  }
0xc0: {  	[dreg:$0x1] =	wrdreg $0xFFFFFFFF  }
0xc1: {  	_ =	task.clear_ibuf [dreg:s7], $0x2FFFF;
	_ =	strace $0x9FFFFFFF  }
0xc2: {  	(tm) =	ssettm $0x7FFFFFFF  }
0xc3: {  	_ =	shalt  }
tec
execute0_lowered:
.L_overlay_start_1:
0x0: {  	(tag) =	ssettag $0x1  }
0x1: {  	s1 =	rddreg [dreg:$0x0]  }
0x2: {  	s4 =	rddreg [dreg:$0x1]  }
0x3: {  	s0 =	rddreg [dreg:$0x2]  }
0x4: {  	s5 =	srdreg.scid;
	s3 =	simm.s32 $0x0;
	s2 =	stileid.u32  }
0x5: {  	s10 =	simm.s32 $0x4000;
	s11 =	simm.s32 $0x6000;
	s12 =	simm.s32 $0x8000  }
0x6: {  	s13 =	simm.s32 $0xA000;
	s14 =	simm.s32 $0xC000;
	s15 =	simm.s32 $0xE000  }
0x7: {  	s16 =	simm.s32 $0x10000;
	s17 =	simm.s32 $0x1;
	s18 =	simm.s32 $0x0  }
0x8: {  	s5 =	sand.u32 $0x1, s5;
	[smem:$0x7FF] =	sst s3;
	s6 =	sshll.u32 s2, $0xE  }
0x9: {  	s30 =	sshll.u32 s2, $0x11;
	s7 =	sshll.u32 s5, $0xD;
	_ =	strace $0x80000047  }
0xa: {  	s8 =	ssub.s32 $0x2, s5;
	s5 =	sshll.u32 s5, $0x10;
	s6 =	sor.u32 s7, s6  }
0xb: {  	s7 =	sadd.s32 s30, s4;
	s9 =	sshrl.u32 s8, $0x1;
	s6 =	sshrl.u32 s6, $0x3  }
0xc: {  	s31 =	ssub.s32 s8, s9;
	s7 =	sadd.s32 s5, s7;
	s8 =	simm.s32 $0x80  }
0xd: {  	s9 =	simm.s32 $0x2000;
	s4 =	sadd.s32 s6, s4;
	s5 =	smax.u32 s31, $0x1  }
0xe: {  	s6 =	sadd.s32 $0x9000, s7;
	s7 =	simm.s32 $0x2;
	s4 =	sadd.s32 $0x1000, s4  }
.LBB2_1:
0xf: {  	[tilespmem:s3], [sflag:$0x2] =	stream.linear.gather [hbm4b:s4+s3], $0x2000, $0x38;
	[tilespmem:$0x12000] =	vst v63  }
0x10: {  	_ =	swait.ge [sflag:s7], $0x2000  }
0x11: {  	[sflag:s7] =	ssyncset.done $0x0  }
0x12: {  	s19 =	simm.s32 $0x0;
	[sflag:s7] =	ssyncadd.s32 $0xFFFFE000  }
0x13: {  	[tilespmem:s9], [sflag:$0x1] =	stream.indirect.gather [hbm4b:s1+s8], $0x40, s19, s8, $0xb8;
	[tilespmem:$0x12000] =	vst v63  }
0x14: {  	s24 =	simm.s32 $0x80  }
0x15: {  	[tilespmem:s10], [sflag:$0x1] =	stream.indirect.gather [hbm4b:s1+s8], $0x40, s24, s8, $0xb8;
	[tilespmem:$0x12000] =	vst v63  }
0x16: {  	s25 =	simm.s32 $0x100  }
0x17: {  	[tilespmem:s11], [sflag:$0x1] =	stream.indirect.gather [hbm4b:s1+s8], $0x40, s25, s8, $0xb8;
	[tilespmem:$0x12000] =	vst v63  }
0x18: {  	s26 =	simm.s32 $0x180  }
0x19: {  	[tilespmem:s12], [sflag:$0x1] =	stream.indirect.gather [hbm4b:s1+s8], $0x40, s26, s8, $0xb8;
	[tilespmem:$0x12000] =	vst v63  }
0x1a: {  	s28 =	simm.s32 $0x200  }
0x1b: {  	[tilespmem:s13], [sflag:$0x1] =	stream.indirect.gather [hbm4b:s1+s8], $0x40, s28, s8, $0xb8;
	[tilespmem:$0x12000] =	vst v63  }
0x1c: {  	s29 =	simm.s32 $0x280  }
0x1d: {  	[tilespmem:s14], [sflag:$0x1] =	stream.indirect.gather [hbm4b:s1+s8], $0x40, s29, s8, $0xb8;
	[tilespmem:$0x12000] =	vst v63  }
0x1e: {  	s30 =	simm.s32 $0x300  }
0x1f: {  	[tilespmem:s15], [sflag:$0x1] =	stream.indirect.gather [hbm4b:s1+s8], $0x40, s30, s8, $0xb8;
	[tilespmem:$0x12000] =	vst v63  }
0x20: {  	s31 =	simm.s32 $0x380  }
0x21: {  	[tilespmem:s16], [sflag:$0x1] =	stream.indirect.gather [hbm4b:s1+s8], $0x40, s31, s8, $0xb8;
	[tilespmem:$0x12000] =	vst v63  }
0x22: {  	_ =	swait.ge [sflag:s17], $0x2000  }
0x23: {  	[sflag:s17] =	ssyncset.done $0x0  }
0x24: {  	[sflag:s17] =	ssyncadd.s32 $0xFFFFE000  }
0x25: {  	_ =	swait.ge [sflag:s17], $0x2000  }
0x26: {  	[sflag:s17] =	ssyncset.done $0x0  }
0x27: {  	[sflag:s17] =	ssyncadd.s32 $0xFFFFE000  }
0x28: {  	_ =	swait.ge [sflag:s17], $0x2000  }
0x29: {  	[sflag:s17] =	ssyncset.done $0x0  }
0x2a: {  	[sflag:s17] =	ssyncadd.s32 $0xFFFFE000  }
0x2b: {  	_ =	swait.ge [sflag:s17], $0x2000  }
0x2c: {  	[sflag:s17] =	ssyncset.done $0x0  }
0x2d: {  	[sflag:s17] =	ssyncadd.s32 $0xFFFFE000  }
0x2e: {  	_ =	swait.ge [sflag:s17], $0x2000  }
0x2f: {  	[sflag:s17] =	ssyncset.done $0x0  }
0x30: {  	[sflag:s17] =	ssyncadd.s32 $0xFFFFE000  }
0x31: {  	_ =	swait.ge [sflag:s17], $0x2000  }
0x32: {  	[sflag:s17] =	ssyncset.done $0x0  }
0x33: {  	[sflag:s17] =	ssyncadd.s32 $0xFFFFE000  }
0x34: {  	_ =	swait.ge [sflag:s17], $0x2000  }
0x35: {  	[sflag:s17] =	ssyncset.done $0x0  }
0x36: {  	[sflag:s17] =	ssyncadd.s32 $0xFFFFE000  }
0x37: {  	_ =	swait.ge [sflag:s17], $0x2000  }
0x38: {  	[sflag:s17] =	ssyncset.done $0x0  }
0x39: {  	[sflag:s17] =	ssyncadd.s32 $0xFFFFE000  }
0x3a: {  	[hbm4b:s6+s3] =	stream.linear.scatter [tilespmem:s9], [sflag:$0x2], $0x10000, $0x38;
	[tilespmem:$0x12000] =	vst v63  }
0x3b: {  	s20 =	simm.s32 $0x1000;
	_ =	swait.ge [sflag:s7], $0x10000  }
0x3c: {  	s22 =	simm.s32 $0x2000;
	s19 =	sadd.s32 $0x2000, s6;
	[sflag:s7] =	ssyncset.done $0x0  }
.LBB2_2:
0x3d: {  	s23 =	sshra.s32 s20, $0x2  }
0x3e: {  	[sflag:s7] =	ssyncadd.s32 $0xFFFF0000;
	s20 =	smov.u32 s22;
	s21 =	sadd.s32 $0x1000, s22  }
0x3f: {  	[tilespmem:s9], [sflag:$0x1] =	stream.indirect.gather [hbm4b:s1+s8], $0x40, s23, s8, $0xb8;
	[tilespmem:$0x12000] =	vst v63  }
0x40: {  	p0 =	sne.s32 s22, $0x7000;
	s22 =	sadd.s32 $0x80, s23  }
0x41: {  	[tilespmem:s10], [sflag:$0x1] =	stream.indirect.gather [hbm4b:s1+s8], $0x40, s22, s8, $0xb8;
	[tilespmem:$0x12000] =	vst v63  }
0x42: {  	s22 =	sadd.s32 $0x100, s23  }
0x43: {  	[tilespmem:s11], [sflag:$0x1] =	stream.indirect.gather [hbm4b:s1+s8], $0x40, s22, s8, $0xb8;
	[tilespmem:$0x12000] =	vst v63  }
0x44: {  	s22 =	sadd.s32 $0x180, s23  }
0x45: {  	[tilespmem:s12], [sflag:$0x1] =	stream.indirect.gather [hbm4b:s1+s8], $0x40, s22, s8, $0xb8;
	[tilespmem:$0x12000] =	vst v63  }
0x46: {  	s22 =	sadd.s32 $0x200, s23  }
0x47: {  	[tilespmem:s13], [sflag:$0x1] =	stream.indirect.gather [hbm4b:s1+s8], $0x40, s22, s8, $0xb8;
	[tilespmem:$0x12000] =	vst v63  }
0x48: {  	s22 =	sadd.s32 $0x280, s23  }
0x49: {  	[tilespmem:s14], [sflag:$0x1] =	stream.indirect.gather [hbm4b:s1+s8], $0x40, s22, s8, $0xb8;
	[tilespmem:$0x12000] =	vst v63  }
0x4a: {  	s22 =	sadd.s32 $0x300, s23  }
0x4b: {  	[tilespmem:s15], [sflag:$0x1] =	stream.indirect.gather [hbm4b:s1+s8], $0x40, s22, s8, $0xb8;
	[tilespmem:$0x12000] =	vst v63  }
0x4c: {  	s22 =	sadd.s32 $0x380, s23  }
0x4d: {  	[tilespmem:s16], [sflag:$0x1] =	stream.indirect.gather [hbm4b:s1+s8], $0x40, s22, s8, $0xb8;
	[tilespmem:$0x12000] =	vst v63  }
0x4e: {  	_ =	swait.ge [sflag:s17], $0x2000  }
0x4f: {  	[sflag:s17] =	ssyncset.done $0x0  }
0x50: {  	[sflag:s17] =	ssyncadd.s32 $0xFFFFE000  }
0x51: {  	_ =	swait.ge [sflag:s17], $0x2000  }
0x52: {  	[sflag:s17] =	ssyncset.done $0x0  }
0x53: {  	[sflag:s17] =	ssyncadd.s32 $0xFFFFE000  }
0x54: {  	_ =	swait.ge [sflag:s17], $0x2000  }
0x55: {  	[sflag:s17] =	ssyncset.done $0x0  }
0x56: {  	[sflag:s17] =	ssyncadd.s32 $0xFFFFE000  }
0x57: {  	_ =	swait.ge [sflag:s17], $0x2000  }
0x58: {  	[sflag:s17] =	ssyncset.done $0x0  }
0x59: {  	[sflag:s17] =	ssyncadd.s32 $0xFFFFE000  }
0x5a: {  	_ =	swait.ge [sflag:s17], $0x2000  }
0x5b: {  	[sflag:s17] =	ssyncset.done $0x0  }
0x5c: {  	[sflag:s17] =	ssyncadd.s32 $0xFFFFE000  }
0x5d: {  	_ =	swait.ge [sflag:s17], $0x2000  }
0x5e: {  	[sflag:s17] =	ssyncset.done $0x0  }
0x5f: {  	[sflag:s17] =	ssyncadd.s32 $0xFFFFE000  }
0x60: {  	_ =	swait.ge [sflag:s17], $0x2000  }
0x61: {  	[sflag:s17] =	ssyncset.done $0x0  }
0x62: {  	[sflag:s17] =	ssyncadd.s32 $0xFFFFE000  }
0x63: {  	_ =	swait.ge [sflag:s17], $0x2000  }
.Ltmp0:
0x64: {  	[sflag:s17] =	ssyncset.done $0x0;
	(pc) =	sbr.rel @p0 .LBB2_2-.Ltmp0, $4  }
0x65: {  	[sflag:s17] =	ssyncadd.s32 $0xFFFFE000  }
0x66: {  	[hbm4b:s19+s3] =	stream.linear.scatter [tilespmem:s9], [sflag:$0x2], $0x10000, $0x38;
	[tilespmem:$0x12000] =	vst v63  }
0x67: {  	_ =	swait.ge [sflag:s7], $0x10000  }
0x68: {  	s22 =	smov.u32 s21;
	s19 =	sadd.s32 $0x2000, s19;
	[sflag:s7] =	ssyncset.done $0x0  }
0x69: {  	s20 =	sshra.s32 s20, $0x2;
	[sflag:s7] =	ssyncadd.s32 $0xFFFF0000  }
0x6a: {  	[tilespmem:s9], [sflag:$0x1] =	stream.indirect.gather [hbm4b:s1+s8], $0x40, s20, s8, $0xb8;
	[tilespmem:$0x12000] =	vst v63  }
0x6b: {  	s21 =	sadd.s32 $0x80, s20  }
0x6c: {  	[tilespmem:s10], [sflag:$0x1] =	stream.indirect.gather [hbm4b:s1+s8], $0x40, s21, s8, $0xb8;
	[tilespmem:$0x12000] =	vst v63  }
0x6d: {  	s26 =	sadd.s32 $0x100, s20  }
0x6e: {  	[tilespmem:s11], [sflag:$0x1] =	stream.indirect.gather [hbm4b:s1+s8], $0x40, s26, s8, $0xb8;
	[tilespmem:$0x12000] =	vst v63  }
0x6f: {  	s28 =	sadd.s32 $0x180, s20  }
0x70: {  	[tilespmem:s12], [sflag:$0x1] =	stream.indirect.gather [hbm4b:s1+s8], $0x40, s28, s8, $0xb8;
	[tilespmem:$0x12000] =	vst v63  }
0x71: {  	s29 =	sadd.s32 $0x200, s20  }
0x72: {  	[tilespmem:s13], [sflag:$0x1] =	stream.indirect.gather [hbm4b:s1+s8], $0x40, s29, s8, $0xb8;
	[tilespmem:$0x12000] =	vst v63  }
0x73: {  	s30 =	sadd.s32 $0x280, s20  }
0x74: {  	[tilespmem:s14], [sflag:$0x1] =	stream.indirect.gather [hbm4b:s1+s8], $0x40, s30, s8, $0xb8;
	[tilespmem:$0x12000] =	vst v63  }
0x75: {  	s31 =	sadd.s32 $0x300, s20  }
0x76: {  	[tilespmem:s15], [sflag:$0x1] =	stream.indirect.gather [hbm4b:s1+s8], $0x40, s31, s8, $0xb8;
	[tilespmem:$0x12000] =	vst v63  }
0x77: {  	s20 =	sadd.s32 $0x380, s20  }
0x78: {  	[tilespmem:s16], [sflag:$0x1] =	stream.indirect.gather [hbm4b:s1+s8], $0x40, s20, s8, $0xb8;
	[tilespmem:$0x12000] =	vst v63  }
0x79: {  	_ =	swait.ge [sflag:s17], $0x2000  }
0x7a: {  	[sflag:s17] =	ssyncset.done $0x0  }
0x7b: {  	[sflag:s17] =	ssyncadd.s32 $0xFFFFE000  }
0x7c: {  	_ =	swait.ge [sflag:s17], $0x2000  }
0x7d: {  	[sflag:s17] =	ssyncset.done $0x0  }
0x7e: {  	[sflag:s17] =	ssyncadd.s32 $0xFFFFE000  }
0x7f: {  	_ =	swait.ge [sflag:s17], $0x2000  }
0x80: {  	[sflag:s17] =	ssyncset.done $0x0  }
0x81: {  	[sflag:s17] =	ssyncadd.s32 $0xFFFFE000  }
0x82: {  	_ =	swait.ge [sflag:s17], $0x2000  }
0x83: {  	[sflag:s17] =	ssyncset.done $0x0  }
0x84: {  	[sflag:s17] =	ssyncadd.s32 $0xFFFFE000  }
0x85: {  	_ =	swait.ge [sflag:s17], $0x2000  }
0x86: {  	[sflag:s17] =	ssyncset.done $0x0  }
0x87: {  	[sflag:s17] =	ssyncadd.s32 $0xFFFFE000  }
0x88: {  	_ =	swait.ge [sflag:s17], $0x2000  }
0x89: {  	[sflag:s17] =	ssyncset.done $0x0  }
0x8a: {  	[sflag:s17] =	ssyncadd.s32 $0xFFFFE000  }
0x8b: {  	_ =	swait.ge [sflag:s17], $0x2000  }
0x8c: {  	[sflag:s17] =	ssyncset.done $0x0  }
0x8d: {  	[sflag:s17] =	ssyncadd.s32 $0xFFFFE000  }
0x8e: {  	s18 =	sadd.s32 $0x1, s18;
	_ =	swait.ge [sflag:s17], $0x2000  }
0x8f: {  	p0 =	sne.s32 s18, s5;
	[sflag:s17] =	ssyncset.done $0x0  }
.Ltmp1:
0x90: {  	[sflag:s17] =	ssyncadd.s32 $0xFFFFE000;
	(pc) =	sbr.rel @p0 .LBB2_1-.Ltmp1, $4  }
0x91: {  	[hbm4b:s19+s3] =	stream.linear.scatter [tilespmem:s9], [sflag:$0x2], $0x10000, $0x38;
	[tilespmem:$0x12000] =	vst v63  }
0x92: {  	_ =	swait.ge [sflag:s7], $0x10000  }
0x93: {  	[sflag:s7] =	ssyncset.done $0x0  }
0x94: {  	[sflag:s7] =	ssyncadd.s32 $0xFFFF0000  }
0x95: {  	_ =	sfence.sel $0x180000  }
0x96: {  	[bflag:$0x0] =	sbarrier.arrive $0xFFFF  }
0x97: {  	p0 =	sne.s32 s2, $0x0;
	_ =	strace $0x90000047  }
0x98: {  	s0 =	sadd.s32 @!p0 $0x100000, s0;
	[bflag:$0x2] =	sbarrier.arrive $0xFFFF  }
0x99: {  	[sflag:s0] =	ssyncadd.tile.s32 @!p0 $0x1;
	_ =	shalt  }
.Lfunc_end2:
_tile_overlayer_lowered:
.L_overlay_start_2:
0x9a: {  	(tag) =	ssettag $0x2  }
0x9b: {  	s0 =	rddreg [dreg:$0x0];
	s2 =	stileid.u32  }
0x9c: {  	s1 =	rddreg [dreg:$0x1];
	p0 =	sne.s32 s2, $0x0  }
0x9d: {  	s3 =	rddreg [dreg:$0x2];
	[bflag:$0x3] =	sbarrier.arrive $0xFFFF;
	s2 =	simm.s32 @!p0 $0x1C02  }
0x9e: {  	[timem:s3], [sflag:s2] =	dma.local @!p0 [hbm:s0], s1  }
0x9f: {  	s0 =	simm.s32 @!p0 $0x2  }
0xa0: {  	_ =	swait.ge @!p0 [sflag:s0], s1  }
0xa1: {  	s1 =	ssub.s32 @!p0 $0x0, s1;
	[sflag:s0] =	ssyncset.done @!p0 $0x0  }
0xa2: {  	[sflag:s0] =	ssyncadd.s32 @!p0 s1  }
0xa3: {  	[bflag:$0x3] =	sbarrier.arrive $0xFFFF  }
0xa4: {  	_ =	shalt  }

</sc_bundles>
